<compile_context>
chip_gen: v7x
topology: tpu7x:2x2x1
jax: 0.10.2.dev20260603
libtpu: 0.0.44.dev20260713+nightly
codegen_flags: <defaults>
</compile_context>

<pallas_src>
import functools

import jax
import jax.numpy as jnp
from jax import lax
from jax.experimental import pallas as pl
from jax.experimental.pallas import tpu as pltpu
from jax.experimental.pallas import tpu_sc as plsc

_H = 2
_G = 4
_K = 512
_D = 64
_BUCKETS = 65536
_HG = _H * _G
_ROUTE = _HG * _D
_TILE = 256

_DNT = (((1,), (1,)), ((), ()))


def _first_argmax(logits):
    m = jnp.max(logits, axis=-1, keepdims=True)
    kiota = jax.lax.broadcasted_iota(jnp.int32, logits.shape, 1)
    return jnp.min(jnp.where(logits == m, kiota, _K), axis=-1, keepdims=True)


def _body(aux_ref, x_ref, wr_ref, ww_ref, cbr_ref, cbw_ref,
          c0r_ref, c1r_ref, c0w_ref, c1w_ref, lr_ref, lw_ref, c2_ref):
    scale = jnp.where(aux_ref[0, 0] != 0, 1.0, 0.0).astype(jnp.float32)

    @pl.when(pl.program_id(0) == 0)
    def _init_c2():
        for s, cb_ref in ((0, cbr_ref), (1, cbw_ref)):
            for hg in range(_HG):
                tcb = cb_ref[hg].T
                c2_ref[s * _HG + hg:s * _HG + hg + 1, :] = 0.25 * jnp.sum(
                    tcb * tcb, axis=0, keepdims=True)

    x = x_ref[...]
    for s, (w_ref, cb_ref, c0_ref, c1_ref, l_ref) in enumerate((
        (wr_ref, cbr_ref, c0r_ref, c1r_ref, lr_ref),
        (ww_ref, cbw_ref, c0w_ref, c1w_ref, lw_ref),
    )):
        y = jax.lax.dot_general(x, w_ref[...], _DNT,
                                preferred_element_type=jnp.float32)
        codes = []
        for hg in range(_HG):
            yh = y[:, hg * _D:(hg + 1) * _D]
            yc2 = jax.lax.dot_general(yh, cb_ref[hg], _DNT,
                                      preferred_element_type=jnp.float32)
            y2 = jnp.sum(yh * yh, axis=1, keepdims=True)
            c2 = c2_ref[s * _HG + hg:s * _HG + hg + 1, :]
            logits = (yc2 - y2) - c2
            l_ref[:, hg * _K:(hg + 1) * _K] = logits * scale
            if hg % _G < 2:
                codes.append(_first_argmax(logits))
            else:
                codes.append(None)
        c0_ref[...] = jnp.concatenate([codes[0], codes[_G]], axis=1)
        c1_ref[...] = jnp.concatenate([codes[1], codes[_G + 1]], axis=1)


_NW = 32
_LANES = 16


def _sc_body(c0r_hbm, c1r_hbm, c0w_hbm, c1w_hbm, ir_hbm, iw_hbm, av, bv, ov):
    wid = lax.axis_index("s") * 2 + lax.axis_index("c")
    chunk = 2 * 4096 // _NW
    base = wid * chunk
    for c0_hbm, c1_hbm, o_hbm in ((c0r_hbm, c1r_hbm, ir_hbm),
                                  (c0w_hbm, c1w_hbm, iw_hbm)):
        pltpu.sync_copy(c0_hbm.at[pl.ds(base, chunk)], av)
        pltpu.sync_copy(c1_hbm.at[pl.ds(base, chunk)], bv)
        for i in range(chunk // _LANES):
            v0 = av[pl.ds(i * _LANES, _LANES)]
            v1 = bv[pl.ds(i * _LANES, _LANES)]
            t1 = jnp.bitwise_and(jnp.left_shift(v1, 9), _BUCKETS - 1)
            ov[pl.ds(i * _LANES, _LANES)] = jnp.bitwise_and(
                v0 + t1, _BUCKETS - 1)
        pltpu.sync_copy(ov, o_hbm.at[pl.ds(base, chunk)])


def kernel(tag, collect_aux, W_r, W_w, codebook_r, codebook_w):
    Bx, Tx, in_dim = tag.shape
    n = Bx * Tx
    x = tag.reshape(n, in_dim)
    cb2r = codebook_r.reshape(_HG, _K, _D) * 2.0
    cb2w = codebook_w.reshape(_HG, _K, _D) * 2.0
    aux = jnp.asarray(collect_aux, jnp.int32).reshape(1, 1)

    grid = (n // _TILE,)
    out_shape = (
        jax.ShapeDtypeStruct((n, _H), jnp.int32),
        jax.ShapeDtypeStruct((n, _H), jnp.int32),
        jax.ShapeDtypeStruct((n, _H), jnp.int32),
        jax.ShapeDtypeStruct((n, _H), jnp.int32),
        jax.ShapeDtypeStruct((n, _HG * _K), jnp.float32),
        jax.ShapeDtypeStruct((n, _HG * _K), jnp.float32),
    )
    in_specs = [
        pl.BlockSpec(memory_space=pltpu.SMEM),
        pl.BlockSpec((_TILE, in_dim), lambda i: (i, 0)),
        pl.BlockSpec((_ROUTE, in_dim), lambda i: (0, 0)),
        pl.BlockSpec((_ROUTE, in_dim), lambda i: (0, 0)),
        pl.BlockSpec((_HG, _K, _D), lambda i: (0, 0, 0)),
        pl.BlockSpec((_HG, _K, _D), lambda i: (0, 0, 0)),
    ]
    out_specs = (
        pl.BlockSpec((_TILE, _H), lambda i: (i, 0)),
        pl.BlockSpec((_TILE, _H), lambda i: (i, 0)),
        pl.BlockSpec((_TILE, _H), lambda i: (i, 0)),
        pl.BlockSpec((_TILE, _H), lambda i: (i, 0)),
        pl.BlockSpec((_TILE, _HG * _K), lambda i: (i, 0)),
        pl.BlockSpec((_TILE, _HG * _K), lambda i: (i, 0)),
    )
    c0r, c1r, c0w, c1w, lr, lw = pl.pallas_call(
        _body,
        grid=grid,
        in_specs=in_specs,
        out_specs=out_specs,
        out_shape=out_shape,
        scratch_shapes=[pltpu.VMEM((2 * _HG, _K), jnp.float32)],
    )(aux, x, W_r, W_w, cb2r, cb2w)

    mesh = plsc.VectorSubcoreMesh(core_axis_name="c", subcore_axis_name="s")
    sc = functools.partial(
        pl.kernel, mesh=mesh,
        out_type=(
            jax.ShapeDtypeStruct((2 * n,), jnp.int32),
            jax.ShapeDtypeStruct((2 * n,), jnp.int32),
        ),
        scratch_types=[
            pltpu.VMEM((2 * n // _NW,), jnp.int32),
            pltpu.VMEM((2 * n // _NW,), jnp.int32),
            pltpu.VMEM((2 * n // _NW,), jnp.int32),
        ],
    )(_sc_body)
    ir_flat, iw_flat = sc(c0r.reshape(-1), c1r.reshape(-1),
                          c0w.reshape(-1), c1w.reshape(-1))

    return (
        ir_flat.reshape(Bx, Tx, _H),
        iw_flat.reshape(Bx, Tx, _H),
        lr.reshape(Bx, Tx, _H, _G, _K),
        lw.reshape(Bx, Tx, _H, _G, _K),
    )

# --- scband reference (transcript-rebuilt; emitter-appended) ---
"""Pipeline reference for scband-vq-router-37847251812687 (READ-ONLY COPY).

The authoritative reference and input builder live on the scoring server;
editing this copy changes nothing except your own understanding.
"""

import jax, jax.numpy as jnp
import numpy as np

B = 1
T = 4096
IN_DIM = 2048
H = 2
G = 4
K = 512
D_GROUP = 64
BUCKETS = 65536
ROUTE_DIM = G * D_GROUP
# Exact modular powers K**i mod BUCKETS computed with Python big ints so that
# remainder(sum(codes_i * K**i), BUCKETS) matches torch's int64 arithmetic
# without needing 64-bit integers in jax.
POWK_MOD = [pow(K, i, BUCKETS) for i in range(G)]


def setup_inputs(seed: int = 0) -> dict:
    key = jax.random.key(seed)
    k1, k2, k3, k4, k5 = jax.random.split(key, 5)
    tag = jax.random.normal(k1, (B, T, IN_DIM), dtype=jnp.float32)
    bound = 1.0 / np.sqrt(IN_DIM)
    W_r = jax.random.uniform(k2, (H * ROUTE_DIM, IN_DIM), dtype=jnp.float32, minval=-bound, maxval=bound)
    W_w = jax.random.uniform(k3, (H * ROUTE_DIM, IN_DIM), dtype=jnp.float32, minval=-bound, maxval=bound)
    codebook_r = jax.random.normal(k4, (H, G, K, D_GROUP), dtype=jnp.float32) * 0.02
    codebook_w = jax.random.normal(k5, (H, G, K, D_GROUP), dtype=jnp.float32) * 0.02
    return {"tag": tag, "collect_aux": True, "W_r": W_r, "W_w": W_w, "codebook_r": codebook_r, "codebook_w": codebook_w}


def _codes_to_bucket(codes):
    # codes: (B,T,H,G) int
    powk = jnp.asarray(POWK_MOD, dtype=jnp.int32)
    terms = (codes.astype(jnp.int32) * powk.reshape(1, 1, 1, G)) % BUCKETS
    v = jnp.sum(terms, axis=-1) % BUCKETS
    return v


def _route_side(y, codebook):
    # y: (B,T,H,G,d), codebook: (H,G,K,d)
    # squared distance ||y - c||^2 = ||y||^2 - 2 y.c + ||c||^2 (mathematically
    # identical to the (diff*diff).sum(-1) in the torch reference, but avoids
    # materializing the (B,T,H,G,K,d) difference tensor)
    y2 = jnp.sum(y * y, axis=-1, keepdims=True)              # (B,T,H,G,1)
    c2 = jnp.sum(codebook * codebook, axis=-1)[None, None]    # (1,1,H,G,K)
    yc = jnp.einsum('bthgd,hgkd->bthgk', y, codebook)         # (B,T,H,G,K)
    dist = y2 - 2.0 * yc + c2
    logits = -dist
    codes = jnp.argmax(logits, axis=-1)                       # beam == 1 path
    idx = _codes_to_bucket(codes)
    return idx, logits


def reference(tag, collect_aux, W_r, W_w, codebook_r, codebook_w):
    Bx, Tx, _ = tag.shape
    y_r = (tag @ W_r.T).reshape(Bx, Tx, H, G, D_GROUP)
    y_w = (tag @ W_w.T).reshape(Bx, Tx, H, G, D_GROUP)
    idx_r, logits_r = _route_side(y_r, codebook_r)
    idx_w, logits_w = _route_side(y_w, codebook_w)
    logits_r = jnp.where(collect_aux, logits_r, jnp.zeros_like(logits_r))
    logits_w = jnp.where(collect_aux, logits_w, jnp.zeros_like(logits_w))
    return (idx_r, idx_w, logits_r, logits_w)

if __name__ == "__main__":
    import jax
    _d = setup_inputs()
    print(jax.jit(kernel)(*tuple(_d.values())))

</pallas_src>

<mosaic_0001>
#map = affine_map<(d0, d1) -> (0)>
module attributes {stable_mosaic.version = 14 : i64} {
  func.func @_sc_body(%arg0: i32, %arg1: i32, %arg2: memref<8192xi32, #tpu.memory_space<hbm>>, %arg3: memref<8192xi32, #tpu.memory_space<hbm>>, %arg4: memref<8192xi32, #tpu.memory_space<hbm>>, %arg5: memref<8192xi32, #tpu.memory_space<hbm>>, %arg6: memref<8192xi32, #tpu.memory_space<hbm>>, %arg7: memref<8192xi32, #tpu.memory_space<hbm>>, %arg8: memref<256xi32, #tpu.memory_space<vmem>>, %arg9: memref<256xi32, #tpu.memory_space<vmem>>, %arg10: memref<256xi32, #tpu.memory_space<vmem>>) attributes {dimension_semantics = [#tpu.dimension_semantics<core_parallel>, #tpu.dimension_semantics<subcore_parallel>], iteration_bounds = array<i64: 2, 16>, scalar_prefetch = 0 : i64, scratch_operands = 3 : i64, tpu.core_type = #tpu.core_type<sc_vector_subcore>, window_params = [{transform_indices = #map}, {transform_indices = #map}, {transform_indices = #map}, {transform_indices = #map}, {transform_indices = #map}, {transform_indices = #map}]} {
    %mul3A = arith.constant 2 : i32
    %mul3A_0 = arith.muli %arg1, %mul3A : i32
    %add3A = arith.addi %mul3A_0, %arg0 : i32
    %mul3A_1 = arith.constant 256 : i32
    %mul3A_2 = arith.muli %add3A, %mul3A_1 : i32
    "tpu.region"() ({
      %run_scoped3A = tpu.sem_alloc : memref<!tpu.dma_semaphore, #tpu.memory_space<semaphore_mem>>
      %dma_start3A = tpu.memref_slice %arg2[%mul3A_2] : memref<8192xi32, #tpu.memory_space<hbm>> -> memref<256xi32, #tpu.memory_space<hbm>>
      %dma_start3A_639 = tpu.memref_slice %arg2[%mul3A_2] : memref<8192xi32, #tpu.memory_space<hbm>> -> memref<256xi32, #tpu.memory_space<hbm>>
      tpu.enqueue_dma source(%dma_start3A_639 : memref<256xi32, #tpu.memory_space<hbm>>) target(%arg8 : memref<256xi32, #tpu.memory_space<vmem>>) target_semaphore(%run_scoped3A : memref<!tpu.dma_semaphore, #tpu.memory_space<semaphore_mem>>)
      %dma_wait3A = tpu.memref_slice %arg2[%mul3A_2] : memref<8192xi32, #tpu.memory_space<hbm>> -> memref<256xi32, #tpu.memory_space<hbm>>
      %dma_wait3A_640 = tpu.memref_slice %arg2[%mul3A_2] : memref<8192xi32, #tpu.memory_space<hbm>> -> memref<256xi32, #tpu.memory_space<hbm>>
      tpu.wait_dma2 semaphore(%run_scoped3A : memref<!tpu.dma_semaphore, #tpu.memory_space<semaphore_mem>>) src(%dma_wait3A_640 : memref<256xi32, #tpu.memory_space<hbm>>) dst(%arg8 : memref<256xi32, #tpu.memory_space<vmem>>)
      tpu.yield
    }) : () -> ()
    "tpu.region"() ({
      %run_scoped3A = tpu.sem_alloc : memref<!tpu.dma_semaphore, #tpu.memory_space<semaphore_mem>>
      %dma_start3A = tpu.memref_slice %arg3[%mul3A_2] : memref<8192xi32, #tpu.memory_space<hbm>> -> memref<256xi32, #tpu.memory_space<hbm>>
      %dma_start3A_639 = tpu.memref_slice %arg3[%mul3A_2] : memref<8192xi32, #tpu.memory_space<hbm>> -> memref<256xi32, #tpu.memory_space<hbm>>
      tpu.enqueue_dma source(%dma_start3A_639 : memref<256xi32, #tpu.memory_space<hbm>>) target(%arg9 : memref<256xi32, #tpu.memory_space<vmem>>) target_semaphore(%run_scoped3A : memref<!tpu.dma_semaphore, #tpu.memory_space<semaphore_mem>>)
      %dma_wait3A = tpu.memref_slice %arg3[%mul3A_2] : memref<8192xi32, #tpu.memory_space<hbm>> -> memref<256xi32, #tpu.memory_space<hbm>>
      %dma_wait3A_640 = tpu.memref_slice %arg3[%mul3A_2] : memref<8192xi32, #tpu.memory_space<hbm>> -> memref<256xi32, #tpu.memory_space<hbm>>
      tpu.wait_dma2 semaphore(%run_scoped3A : memref<!tpu.dma_semaphore, #tpu.memory_space<semaphore_mem>>) src(%dma_wait3A_640 : memref<256xi32, #tpu.memory_space<hbm>>) dst(%arg9 : memref<256xi32, #tpu.memory_space<vmem>>)
      tpu.yield
    }) : () -> ()
    %get3A = arith.constant 0 : index
    %get3A_3 = tpu.vector_load %arg8[%get3A] {strides = array<i32>} : memref<256xi32, #tpu.memory_space<vmem>>, vector<16xi32>,
    %get3A_4 = vector.shape_cast %get3A_3 : vector<16xi32> to vector<16xi32>
    %get3A_5 = arith.constant 0 : index
    %get3A_6 = tpu.vector_load %arg9[%get3A_5] {strides = array<i32>} : memref<256xi32, #tpu.memory_space<vmem>>, vector<16xi32>,
    %get3A_7 = vector.shape_cast %get3A_6 : vector<16xi32> to vector<16xi32>
    %shift_left3A = arith.constant 9 : i32
    %shift_left3A_8 = vector.broadcast %shift_left3A : i32 to vector<16xi32>
    %shift_left3A_9 = arith.shli %get3A_7, %shift_left3A_8 : vector<16xi32>
    %and3A = arith.constant 65535 : i32
    %and3A_10 = vector.broadcast %and3A : i32 to vector<16xi32>
    %and3A_11 = arith.andi %shift_left3A_9, %and3A_10 : vector<16xi32>
    %add3A_12 = arith.addi %get3A_4, %and3A_11 : vector<16xi32>
    %and3A_13 = arith.constant 65535 : i32
    %and3A_14 = vector.broadcast %and3A_13 : i32 to vector<16xi32>
    %and3A_15 = arith.andi %add3A_12, %and3A_14 : vector<16xi32>
    %swap3A = arith.constant 0 : index
    %swap3A_16 = tpu.vector_load %arg10[%swap3A] {strides = array<i32>} : memref<256xi32, #tpu.memory_space<vmem>>, vector<16xi32>,
    %swap3A_17 = vector.shape_cast %swap3A_16 : vector<16xi32> to vector<16xi32>
    %swap3A_18 = vector.shape_cast %and3A_15 : vector<16xi32> to vector<16xi32>
    tpu.vector_store %arg10[%swap3A], %swap3A_18 {strides = array<i32>} : memref<256xi32, #tpu.memory_space<vmem>>, vector<16xi32>,
    %get3A_19 = arith.constant 16 : index
    %get3A_20 = tpu.vector_load %arg8[%get3A_19] {strides = array<i32>} : memref<256xi32, #tpu.memory_space<vmem>>, vector<16xi32>,
    %get3A_21 = vector.shape_cast %get3A_20 : vector<16xi32> to vector<16xi32>
    %get3A_22 = arith.constant 16 : index
    %get3A_23 = tpu.vector_load %arg9[%get3A_22] {strides = array<i32>} : memref<256xi32, #tpu.memory_space<vmem>>, vector<16xi32>,
    %get3A_24 = vector.shape_cast %get3A_23 : vector<16xi32> to vector<16xi32>
    %shift_left3A_25 = arith.constant 9 : i32
    %shift_left3A_26 = vector.broadcast %shift_left3A_25 : i32 to vector<16xi32>
    %shift_left3A_27 = arith.shli %get3A_24, %shift_left3A_26 : vector<16xi32>
    %and3A_28 = arith.constant 65535 : i32
    %and3A_29 = vector.broadcast %and3A_28 : i32 to vector<16xi32>
    %and3A_30 = arith.andi %shift_left3A_27, %and3A_29 : vector<16xi32>
    %add3A_31 = arith.addi %get3A_21, %and3A_30 : vector<16xi32>
    %and3A_32 = arith.constant 65535 : i32
    %and3A_33 = vector.broadcast %and3A_32 : i32 to vector<16xi32>
    %and3A_34 = arith.andi %add3A_31, %and3A_33 : vector<16xi32>
    %swap3A_35 = arith.constant 16 : index
    %swap3A_36 = tpu.vector_load %arg10[%swap3A_35] {strides = array<i32>} : memref<256xi32, #tpu.memory_space<vmem>>, vector<16xi32>,
    %swap3A_37 = vector.shape_cast %swap3A_36 : vector<16xi32> to vector<16xi32>
    %swap3A_38 = vector.shape_cast %and3A_34 : vector<16xi32> to vector<16xi32>
    tpu.vector_store %arg10[%swap3A_35], %swap3A_38 {strides = array<i32>} : memref<256xi32, #tpu.memory_space<vmem>>, vector<16xi32>,
    %get3A_39 = arith.constant 32 : index
    %get3A_40 = tpu.vector_load %arg8[%get3A_39] {strides = array<i32>} : memref<256xi32, #tpu.memory_space<vmem>>, vector<16xi32>,
    %get3A_41 = vector.shape_cast %get3A_40 : vector<16xi32> to vector<16xi32>
    %get3A_42 = arith.constant 32 : index
    %get3A_43 = tpu.vector_load %arg9[%get3A_42] {strides = array<i32>} : memref<256xi32, #tpu.memory_space<vmem>>, vector<16xi32>,
    %get3A_44 = vector.shape_cast %get3A_43 : vector<16xi32> to vector<16xi32>
    %shift_left3A_45 = arith.constant 9 : i32
    %shift_left3A_46 = vector.broadcast %shift_left3A_45 : i32 to vector<16xi32>
    %shift_left3A_47 = arith.shli %get3A_44, %shift_left3A_46 : vector<16xi32>
    %and3A_48 = arith.constant 65535 : i32
    %and3A_49 = vector.broadcast %and3A_48 : i32 to vector<16xi32>
    %and3A_50 = arith.andi %shift_left3A_47, %and3A_49 : vector<16xi32>
    %add3A_51 = arith.addi %get3A_41, %and3A_50 : vector<16xi32>
    %and3A_52 = arith.constant 65535 : i32
    %and3A_53 = vector.broadcast %and3A_52 : i32 to vector<16xi32>
    %and3A_54 = arith.andi %add3A_51, %and3A_53 : vector<16xi32>
    %swap3A_55 = arith.constant 32 : index
    %swap3A_56 = tpu.vector_load %arg10[%swap3A_55] {strides = array<i32>} : memref<256xi32, #tpu.memory_space<vmem>>, vector<16xi32>,
    %swap3A_57 = vector.shape_cast %swap3A_56 : vector<16xi32> to vector<16xi32>
    %swap3A_58 = vector.shape_cast %and3A_54 : vector<16xi32> to vector<16xi32>
    tpu.vector_store %arg10[%swap3A_55], %swap3A_58 {strides = array<i32>} : memref<256xi32, #tpu.memory_space<vmem>>, vector<16xi32>,
    %get3A_59 = arith.constant 48 : index
    %get3A_60 = tpu.vector_load %arg8[%get3A_59] {strides = array<i32>} : memref<256xi32, #tpu.memory_space<vmem>>, vector<16xi32>,
    %get3A_61 = vector.shape_cast %get3A_60 : vector<16xi32> to vector<16xi32>
    %get3A_62 = arith.constant 48 : index
    %get3A_63 = tpu.vector_load %arg9[%get3A_62] {strides = array<i32>} : memref<256xi32, #tpu.memory_space<vmem>>, vector<16xi32>,
    %get3A_64 = vector.shape_cast %get3A_63 : vector<16xi32> to vector<16xi32>
    %shift_left3A_65 = arith.constant 9 : i32
    %shift_left3A_66 = vector.broadcast %shift_left3A_65 : i32 to vector<16xi32>
    %shift_left3A_67 = arith.shli %get3A_64, %shift_left3A_66 : vector<16xi32>
    %and3A_68 = arith.constant 65535 : i32
    %and3A_69 = vector.broadcast %and3A_68 : i32 to vector<16xi32>
    %and3A_70 = arith.andi %shift_left3A_67, %and3A_69 : vector<16xi32>
    %add3A_71 = arith.addi %get3A_61, %and3A_70 : vector<16xi32>
    %and3A_72 = arith.constant 65535 : i32
    %and3A_73 = vector.broadcast %and3A_72 : i32 to vector<16xi32>
    %and3A_74 = arith.andi %add3A_71, %and3A_73 : vector<16xi32>
    %swap3A_75 = arith.constant 48 : index
    %swap3A_76 = tpu.vector_load %arg10[%swap3A_75] {strides = array<i32>} : memref<256xi32, #tpu.memory_space<vmem>>, vector<16xi32>,
    %swap3A_77 = vector.shape_cast %swap3A_76 : vector<16xi32> to vector<16xi32>
    %swap3A_78 = vector.shape_cast %and3A_74 : vector<16xi32> to vector<16xi32>
    tpu.vector_store %arg10[%swap3A_75], %swap3A_78 {strides = array<i32>} : memref<256xi32, #tpu.memory_space<vmem>>, vector<16xi32>,
    %get3A_79 = arith.constant 64 : index
    %get3A_80 = tpu.vector_load %arg8[%get3A_79] {strides = array<i32>} : memref<256xi32, #tpu.memory_space<vmem>>, vector<16xi32>,
    %get3A_81 = vector.shape_cast %get3A_80 : vector<16xi32> to vector<16xi32>
    %get3A_82 = arith.constant 64 : index
    %get3A_83 = tpu.vector_load %arg9[%get3A_82] {strides = array<i32>} : memref<256xi32, #tpu.memory_space<vmem>>, vector<16xi32>,
    %get3A_84 = vector.shape_cast %get3A_83 : vector<16xi32> to vector<16xi32>
    %shift_left3A_85 = arith.constant 9 : i32
    %shift_left3A_86 = vector.broadcast %shift_left3A_85 : i32 to vector<16xi32>
    %shift_left3A_87 = arith.shli %get3A_84, %shift_left3A_86 : vector<16xi32>
    %and3A_88 = arith.constant 65535 : i32
    %and3A_89 = vector.broadcast %and3A_88 : i32 to vector<16xi32>
    %and3A_90 = arith.andi %shift_left3A_87, %and3A_89 : vector<16xi32>
    %add3A_91 = arith.addi %get3A_81, %and3A_90 : vector<16xi32>
    %and3A_92 = arith.constant 65535 : i32
    %and3A_93 = vector.broadcast %and3A_92 : i32 to vector<16xi32>
    %and3A_94 = arith.andi %add3A_91, %and3A_93 : vector<16xi32>
    %swap3A_95 = arith.constant 64 : index
    %swap3A_96 = tpu.vector_load %arg10[%swap3A_95] {strides = array<i32>} : memref<256xi32, #tpu.memory_space<vmem>>, vector<16xi32>,
    %swap3A_97 = vector.shape_cast %swap3A_96 : vector<16xi32> to vector<16xi32>
    %swap3A_98 = vector.shape_cast %and3A_94 : vector<16xi32> to vector<16xi32>
    tpu.vector_store %arg10[%swap3A_95], %swap3A_98 {strides = array<i32>} : memref<256xi32, #tpu.memory_space<vmem>>, vector<16xi32>,
    %get3A_99 = arith.constant 80 : index
    %get3A_100 = tpu.vector_load %arg8[%get3A_99] {strides = array<i32>} : memref<256xi32, #tpu.memory_space<vmem>>, vector<16xi32>,
    %get3A_101 = vector.shape_cast %get3A_100 : vector<16xi32> to vector<16xi32>
    %get3A_102 = arith.constant 80 : index
    %get3A_103 = tpu.vector_load %arg9[%get3A_102] {strides = array<i32>} : memref<256xi32, #tpu.memory_space<vmem>>, vector<16xi32>,
    %get3A_104 = vector.shape_cast %get3A_103 : vector<16xi32> to vector<16xi32>
    %shift_left3A_105 = arith.constant 9 : i32
    %shift_left3A_106 = vector.broadcast %shift_left3A_105 : i32 to vector<16xi32>
    %shift_left3A_107 = arith.shli %get3A_104, %shift_left3A_106 : vector<16xi32>
    %and3A_108 = arith.constant 65535 : i32
    %and3A_109 = vector.broadcast %and3A_108 : i32 to vector<16xi32>
    %and3A_110 = arith.andi %shift_left3A_107, %and3A_109 : vector<16xi32>
    %add3A_111 = arith.addi %get3A_101, %and3A_110 : vector<16xi32>
    %and3A_112 = arith.constant 65535 : i32
    %and3A_113 = vector.broadcast %and3A_112 : i32 to vector<16xi32>
    %and3A_114 = arith.andi %add3A_111, %and3A_113 : vector<16xi32>
    %swap3A_115 = arith.constant 80 : index
    %swap3A_116 = tpu.vector_load %arg10[%swap3A_115] {strides = array<i32>} : memref<256xi32, #tpu.memory_space<vmem>>, vector<16xi32>,
    %swap3A_117 = vector.shape_cast %swap3A_116 : vector<16xi32> to vector<16xi32>
    %swap3A_118 = vector.shape_cast %and3A_114 : vector<16xi32> to vector<16xi32>
    tpu.vector_store %arg10[%swap3A_115], %swap3A_118 {strides = array<i32>} : memref<256xi32, #tpu.memory_space<vmem>>, vector<16xi32>,
    %get3A_119 = arith.constant 96 : index
    %get3A_120 = tpu.vector_load %arg8[%get3A_119] {strides = array<i32>} : memref<256xi32, #tpu.memory_space<vmem>>, vector<16xi32>,
    %get3A_121 = vector.shape_cast %get3A_120 : vector<16xi32> to vector<16xi32>
    %get3A_122 = arith.constant 96 : index
    %get3A_123 = tpu.vector_load %arg9[%get3A_122] {strides = array<i32>} : memref<256xi32, #tpu.memory_space<vmem>>, vector<16xi32>,
    %get3A_124 = vector.shape_cast %get3A_123 : vector<16xi32> to vector<16xi32>
    %shift_left3A_125 = arith.constant 9 : i32
    %shift_left3A_126 = vector.broadcast %shift_left3A_125 : i32 to vector<16xi32>
    %shift_left3A_127 = arith.shli %get3A_124, %shift_left3A_126 : vector<16xi32>
    %and3A_128 = arith.constant 65535 : i32
    %and3A_129 = vector.broadcast %and3A_128 : i32 to vector<16xi32>
    %and3A_130 = arith.andi %shift_left3A_127, %and3A_129 : vector<16xi32>
    %add3A_131 = arith.addi %get3A_121, %and3A_130 : vector<16xi32>
    %and3A_132 = arith.constant 65535 : i32
    %and3A_133 = vector.broadcast %and3A_132 : i32 to vector<16xi32>
    %and3A_134 = arith.andi %add3A_131, %and3A_133 : vector<16xi32>
    %swap3A_135 = arith.constant 96 : index
    %swap3A_136 = tpu.vector_load %arg10[%swap3A_135] {strides = array<i32>} : memref<256xi32, #tpu.memory_space<vmem>>, vector<16xi32>,
    %swap3A_137 = vector.shape_cast %swap3A_136 : vector<16xi32> to vector<16xi32>
    %swap3A_138 = vector.shape_cast %and3A_134 : vector<16xi32> to vector<16xi32>
    tpu.vector_store %arg10[%swap3A_135], %swap3A_138 {strides = array<i32>} : memref<256xi32, #tpu.memory_space<vmem>>, vector<16xi32>,
    %get3A_139 = arith.constant 112 : index
    %get3A_140 = tpu.vector_load %arg8[%get3A_139] {strides = array<i32>} : memref<256xi32, #tpu.memory_space<vmem>>, vector<16xi32>,
    %get3A_141 = vector.shape_cast %get3A_140 : vector<16xi32> to vector<16xi32>
    %get3A_142 = arith.constant 112 : index
    %get3A_143 = tpu.vector_load %arg9[%get3A_142] {strides = array<i32>} : memref<256xi32, #tpu.memory_space<vmem>>, vector<16xi32>,
    %get3A_144 = vector.shape_cast %get3A_143 : vector<16xi32> to vector<16xi32>
    %shift_left3A_145 = arith.constant 9 : i32
    %shift_left3A_146 = vector.broadcast %shift_left3A_145 : i32 to vector<16xi32>
    %shift_left3A_147 = arith.shli %get3A_144, %shift_left3A_146 : vector<16xi32>
    %and3A_148 = arith.constant 65535 : i32
    %and3A_149 = vector.broadcast %and3A_148 : i32 to vector<16xi32>
    %and3A_150 = arith.andi %shift_left3A_147, %and3A_149 : vector<16xi32>
    %add3A_151 = arith.addi %get3A_141, %and3A_150 : vector<16xi32>
    %and3A_152 = arith.constant 65535 : i32
    %and3A_153 = vector.broadcast %and3A_152 : i32 to vector<16xi32>
    %and3A_154 = arith.andi %add3A_151, %and3A_153 : vector<16xi32>
    %swap3A_155 = arith.constant 112 : index
    %swap3A_156 = tpu.vector_load %arg10[%swap3A_155] {strides = array<i32>} : memref<256xi32, #tpu.memory_space<vmem>>, vector<16xi32>,
    %swap3A_157 = vector.shape_cast %swap3A_156 : vector<16xi32> to vector<16xi32>
    %swap3A_158 = vector.shape_cast %and3A_154 : vector<16xi32> to vector<16xi32>
    tpu.vector_store %arg10[%swap3A_155], %swap3A_158 {strides = array<i32>} : memref<256xi32, #tpu.memory_space<vmem>>, vector<16xi32>,
    %get3A_159 = arith.constant 128 : index
    %get3A_160 = tpu.vector_load %arg8[%get3A_159] {strides = array<i32>} : memref<256xi32, #tpu.memory_space<vmem>>, vector<16xi32>,
    %get3A_161 = vector.shape_cast %get3A_160 : vector<16xi32> to vector<16xi32>
    %get3A_162 = arith.constant 128 : index
    %get3A_163 = tpu.vector_load %arg9[%get3A_162] {strides = array<i32>} : memref<256xi32, #tpu.memory_space<vmem>>, vector<16xi32>,
    %get3A_164 = vector.shape_cast %get3A_163 : vector<16xi32> to vector<16xi32>
    %shift_left3A_165 = arith.constant 9 : i32
    %shift_left3A_166 = vector.broadcast %shift_left3A_165 : i32 to vector<16xi32>
    %shift_left3A_167 = arith.shli %get3A_164, %shift_left3A_166 : vector<16xi32>
    %and3A_168 = arith.constant 65535 : i32
    %and3A_169 = vector.broadcast %and3A_168 : i32 to vector<16xi32>
    %and3A_170 = arith.andi %shift_left3A_167, %and3A_169 : vector<16xi32>
    %add3A_171 = arith.addi %get3A_161, %and3A_170 : vector<16xi32>
    %and3A_172 = arith.constant 65535 : i32
    %and3A_173 = vector.broadcast %and3A_172 : i32 to vector<16xi32>
    %and3A_174 = arith.andi %add3A_171, %and3A_173 : vector<16xi32>
    %swap3A_175 = arith.constant 128 : index
    %swap3A_176 = tpu.vector_load %arg10[%swap3A_175] {strides = array<i32>} : memref<256xi32, #tpu.memory_space<vmem>>, vector<16xi32>,
    %swap3A_177 = vector.shape_cast %swap3A_176 : vector<16xi32> to vector<16xi32>
    %swap3A_178 = vector.shape_cast %and3A_174 : vector<16xi32> to vector<16xi32>
    tpu.vector_store %arg10[%swap3A_175], %swap3A_178 {strides = array<i32>} : memref<256xi32, #tpu.memory_space<vmem>>, vector<16xi32>,
    %get3A_179 = arith.constant 144 : index
    %get3A_180 = tpu.vector_load %arg8[%get3A_179] {strides = array<i32>} : memref<256xi32, #tpu.memory_space<vmem>>, vector<16xi32>,
    %get3A_181 = vector.shape_cast %get3A_180 : vector<16xi32> to vector<16xi32>
    %get3A_182 = arith.constant 144 : index
    %get3A_183 = tpu.vector_load %arg9[%get3A_182] {strides = array<i32>} : memref<256xi32, #tpu.memory_space<vmem>>, vector<16xi32>,
    %get3A_184 = vector.shape_cast %get3A_183 : vector<16xi32> to vector<16xi32>
    %shift_left3A_185 = arith.constant 9 : i32
    %shift_left3A_186 = vector.broadcast %shift_left3A_185 : i32 to vector<16xi32>
    %shift_left3A_187 = arith.shli %get3A_184, %shift_left3A_186 : vector<16xi32>
    %and3A_188 = arith.constant 65535 : i32
    %and3A_189 = vector.broadcast %and3A_188 : i32 to vector<16xi32>
    %and3A_190 = arith.andi %shift_left3A_187, %and3A_189 : vector<16xi32>
    %add3A_191 = arith.addi %get3A_181, %and3A_190 : vector<16xi32>
    %and3A_192 = arith.constant 65535 : i32
    %and3A_193 = vector.broadcast %and3A_192 : i32 to vector<16xi32>
    %and3A_194 = arith.andi %add3A_191, %and3A_193 : vector<16xi32>
    %swap3A_195 = arith.constant 144 : index
    %swap3A_196 = tpu.vector_load %arg10[%swap3A_195] {strides = array<i32>} : memref<256xi32, #tpu.memory_space<vmem>>, vector<16xi32>,
    %swap3A_197 = vector.shape_cast %swap3A_196 : vector<16xi32> to vector<16xi32>
    %swap3A_198 = vector.shape_cast %and3A_194 : vector<16xi32> to vector<16xi32>
    tpu.vector_store %arg10[%swap3A_195], %swap3A_198 {strides = array<i32>} : memref<256xi32, #tpu.memory_space<vmem>>, vector<16xi32>,
    %get3A_199 = arith.constant 160 : index
    %get3A_200 = tpu.vector_load %arg8[%get3A_199] {strides = array<i32>} : memref<256xi32, #tpu.memory_space<vmem>>, vector<16xi32>,
    %get3A_201 = vector.shape_cast %get3A_200 : vector<16xi32> to vector<16xi32>
    %get3A_202 = arith.constant 160 : index
    %get3A_203 = tpu.vector_load %arg9[%get3A_202] {strides = array<i32>} : memref<256xi32, #tpu.memory_space<vmem>>, vector<16xi32>,
    %get3A_204 = vector.shape_cast %get3A_203 : vector<16xi32> to vector<16xi32>
    %shift_left3A_205 = arith.constant 9 : i32
    %shift_left3A_206 = vector.broadcast %shift_left3A_205 : i32 to vector<16xi32>
    %shift_left3A_207 = arith.shli %get3A_204, %shift_left3A_206 : vector<16xi32>
    %and3A_208 = arith.constant 65535 : i32
    %and3A_209 = vector.broadcast %and3A_208 : i32 to vector<16xi32>
    %and3A_210 = arith.andi %shift_left3A_207, %and3A_209 : vector<16xi32>
    %add3A_211 = arith.addi %get3A_201, %and3A_210 : vector<16xi32>
    %and3A_212 = arith.constant 65535 : i32
    %and3A_213 = vector.broadcast %and3A_212 : i32 to vector<16xi32>
    %and3A_214 = arith.andi %add3A_211, %and3A_213 : vector<16xi32>
    %swap3A_215 = arith.constant 160 : index
    %swap3A_216 = tpu.vector_load %arg10[%swap3A_215] {strides = array<i32>} : memref<256xi32, #tpu.memory_space<vmem>>, vector<16xi32>,
    %swap3A_217 = vector.shape_cast %swap3A_216 : vector<16xi32> to vector<16xi32>
    %swap3A_218 = vector.shape_cast %and3A_214 : vector<16xi32> to vector<16xi32>
    tpu.vector_store %arg10[%swap3A_215], %swap3A_218 {strides = array<i32>} : memref<256xi32, #tpu.memory_space<vmem>>, vector<16xi32>,
    %get3A_219 = arith.constant 176 : index
    %get3A_220 = tpu.vector_load %arg8[%get3A_219] {strides = array<i32>} : memref<256xi32, #tpu.memory_space<vmem>>, vector<16xi32>,
    %get3A_221 = vector.shape_cast %get3A_220 : vector<16xi32> to vector<16xi32>
    %get3A_222 = arith.constant 176 : index
    %get3A_223 = tpu.vector_load %arg9[%get3A_222] {strides = array<i32>} : memref<256xi32, #tpu.memory_space<vmem>>, vector<16xi32>,
    %get3A_224 = vector.shape_cast %get3A_223 : vector<16xi32> to vector<16xi32>
    %shift_left3A_225 = arith.constant 9 : i32
    %shift_left3A_226 = vector.broadcast %shift_left3A_225 : i32 to vector<16xi32>
    %shift_left3A_227 = arith.shli %get3A_224, %shift_left3A_226 : vector<16xi32>
    %and3A_228 = arith.constant 65535 : i32
    %and3A_229 = vector.broadcast %and3A_228 : i32 to vector<16xi32>
    %and3A_230 = arith.andi %shift_left3A_227, %and3A_229 : vector<16xi32>
    %add3A_231 = arith.addi %get3A_221, %and3A_230 : vector<16xi32>
    %and3A_232 = arith.constant 65535 : i32
    %and3A_233 = vector.broadcast %and3A_232 : i32 to vector<16xi32>
    %and3A_234 = arith.andi %add3A_231, %and3A_233 : vector<16xi32>
    %swap3A_235 = arith.constant 176 : index
    %swap3A_236 = tpu.vector_load %arg10[%swap3A_235] {strides = array<i32>} : memref<256xi32, #tpu.memory_space<vmem>>, vector<16xi32>,
    %swap3A_237 = vector.shape_cast %swap3A_236 : vector<16xi32> to vector<16xi32>
    %swap3A_238 = vector.shape_cast %and3A_234 : vector<16xi32> to vector<16xi32>
    tpu.vector_store %arg10[%swap3A_235], %swap3A_238 {strides = array<i32>} : memref<256xi32, #tpu.memory_space<vmem>>, vector<16xi32>,
    %get3A_239 = arith.constant 192 : index
    %get3A_240 = tpu.vector_load %arg8[%get3A_239] {strides = array<i32>} : memref<256xi32, #tpu.memory_space<vmem>>, vector<16xi32>,
    %get3A_241 = vector.shape_cast %get3A_240 : vector<16xi32> to vector<16xi32>
    %get3A_242 = arith.constant 192 : index
    %get3A_243 = tpu.vector_load %arg9[%get3A_242] {strides = array<i32>} : memref<256xi32, #tpu.memory_space<vmem>>, vector<16xi32>,
    %get3A_244 = vector.shape_cast %get3A_243 : vector<16xi32> to vector<16xi32>
    %shift_left3A_245 = arith.constant 9 : i32
    %shift_left3A_246 = vector.broadcast %shift_left3A_245 : i32 to vector<16xi32>
    %shift_left3A_247 = arith.shli %get3A_244, %shift_left3A_246 : vector<16xi32>
    %and3A_248 = arith.constant 65535 : i32
    %and3A_249 = vector.broadcast %and3A_248 : i32 to vector<16xi32>
    %and3A_250 = arith.andi %shift_left3A_247, %and3A_249 : vector<16xi32>
    %add3A_251 = arith.addi %get3A_241, %and3A_250 : vector<16xi32>
    %and3A_252 = arith.constant 65535 : i32
    %and3A_253 = vector.broadcast %and3A_252 : i32 to vector<16xi32>
    %and3A_254 = arith.andi %add3A_251, %and3A_253 : vector<16xi32>
    %swap3A_255 = arith.constant 192 : index
    %swap3A_256 = tpu.vector_load %arg10[%swap3A_255] {strides = array<i32>} : memref<256xi32, #tpu.memory_space<vmem>>, vector<16xi32>,
    %swap3A_257 = vector.shape_cast %swap3A_256 : vector<16xi32> to vector<16xi32>
    %swap3A_258 = vector.shape_cast %and3A_254 : vector<16xi32> to vector<16xi32>
    tpu.vector_store %arg10[%swap3A_255], %swap3A_258 {strides = array<i32>} : memref<256xi32, #tpu.memory_space<vmem>>, vector<16xi32>,
    %get3A_259 = arith.constant 208 : index
    %get3A_260 = tpu.vector_load %arg8[%get3A_259] {strides = array<i32>} : memref<256xi32, #tpu.memory_space<vmem>>, vector<16xi32>,
    %get3A_261 = vector.shape_cast %get3A_260 : vector<16xi32> to vector<16xi32>
    %get3A_262 = arith.constant 208 : index
    %get3A_263 = tpu.vector_load %arg9[%get3A_262] {strides = array<i32>} : memref<256xi32, #tpu.memory_space<vmem>>, vector<16xi32>,
    %get3A_264 = vector.shape_cast %get3A_263 : vector<16xi32> to vector<16xi32>
    %shift_left3A_265 = arith.constant 9 : i32
    %shift_left3A_266 = vector.broadcast %shift_left3A_265 : i32 to vector<16xi32>
    %shift_left3A_267 = arith.shli %get3A_264, %shift_left3A_266 : vector<16xi32>
    %and3A_268 = arith.constant 65535 : i32
    %and3A_269 = vector.broadcast %and3A_268 : i32 to vector<16xi32>
    %and3A_270 = arith.andi %shift_left3A_267, %and3A_269 : vector<16xi32>
    %add3A_271 = arith.addi %get3A_261, %and3A_270 : vector<16xi32>
    %and3A_272 = arith.constant 65535 : i32
    %and3A_273 = vector.broadcast %and3A_272 : i32 to vector<16xi32>
    %and3A_274 = arith.andi %add3A_271, %and3A_273 : vector<16xi32>
    %swap3A_275 = arith.constant 208 : index
    %swap3A_276 = tpu.vector_load %arg10[%swap3A_275] {strides = array<i32>} : memref<256xi32, #tpu.memory_space<vmem>>, vector<16xi32>,
    %swap3A_277 = vector.shape_cast %swap3A_276 : vector<16xi32> to vector<16xi32>
    %swap3A_278 = vector.shape_cast %and3A_274 : vector<16xi32> to vector<16xi32>
    tpu.vector_store %arg10[%swap3A_275], %swap3A_278 {strides = array<i32>} : memref<256xi32, #tpu.memory_space<vmem>>, vector<16xi32>,
    %get3A_279 = arith.constant 224 : index
    %get3A_280 = tpu.vector_load %arg8[%get3A_279] {strides = array<i32>} : memref<256xi32, #tpu.memory_space<vmem>>, vector<16xi32>,
    %get3A_281 = vector.shape_cast %get3A_280 : vector<16xi32> to vector<16xi32>
    %get3A_282 = arith.constant 224 : index
    %get3A_283 = tpu.vector_load %arg9[%get3A_282] {strides = array<i32>} : memref<256xi32, #tpu.memory_space<vmem>>, vector<16xi32>,
    %get3A_284 = vector.shape_cast %get3A_283 : vector<16xi32> to vector<16xi32>
    %shift_left3A_285 = arith.constant 9 : i32
    %shift_left3A_286 = vector.broadcast %shift_left3A_285 : i32 to vector<16xi32>
    %shift_left3A_287 = arith.shli %get3A_284, %shift_left3A_286 : vector<16xi32>
    %and3A_288 = arith.constant 65535 : i32
    %and3A_289 = vector.broadcast %and3A_288 : i32 to vector<16xi32>
    %and3A_290 = arith.andi %shift_left3A_287, %and3A_289 : vector<16xi32>
    %add3A_291 = arith.addi %get3A_281, %and3A_290 : vector<16xi32>
    %and3A_292 = arith.constant 65535 : i32
    %and3A_293 = vector.broadcast %and3A_292 : i32 to vector<16xi32>
    %and3A_294 = arith.andi %add3A_291, %and3A_293 : vector<16xi32>
    %swap3A_295 = arith.constant 224 : index
    %swap3A_296 = tpu.vector_load %arg10[%swap3A_295] {strides = array<i32>} : memref<256xi32, #tpu.memory_space<vmem>>, vector<16xi32>,
    %swap3A_297 = vector.shape_cast %swap3A_296 : vector<16xi32> to vector<16xi32>
    %swap3A_298 = vector.shape_cast %and3A_294 : vector<16xi32> to vector<16xi32>
    tpu.vector_store %arg10[%swap3A_295], %swap3A_298 {strides = array<i32>} : memref<256xi32, #tpu.memory_space<vmem>>, vector<16xi32>,
    %get3A_299 = arith.constant 240 : index
    %get3A_300 = tpu.vector_load %arg8[%get3A_299] {strides = array<i32>} : memref<256xi32, #tpu.memory_space<vmem>>, vector<16xi32>,
    %get3A_301 = vector.shape_cast %get3A_300 : vector<16xi32> to vector<16xi32>
    %get3A_302 = arith.constant 240 : index
    %get3A_303 = tpu.vector_load %arg9[%get3A_302] {strides = array<i32>} : memref<256xi32, #tpu.memory_space<vmem>>, vector<16xi32>,
    %get3A_304 = vector.shape_cast %get3A_303 : vector<16xi32> to vector<16xi32>
    %shift_left3A_305 = arith.constant 9 : i32
    %shift_left3A_306 = vector.broadcast %shift_left3A_305 : i32 to vector<16xi32>
    %shift_left3A_307 = arith.shli %get3A_304, %shift_left3A_306 : vector<16xi32>
    %and3A_308 = arith.constant 65535 : i32
    %and3A_309 = vector.broadcast %and3A_308 : i32 to vector<16xi32>
    %and3A_310 = arith.andi %shift_left3A_307, %and3A_309 : vector<16xi32>
    %add3A_311 = arith.addi %get3A_301, %and3A_310 : vector<16xi32>
    %and3A_312 = arith.constant 65535 : i32
    %and3A_313 = vector.broadcast %and3A_312 : i32 to vector<16xi32>
    %and3A_314 = arith.andi %add3A_311, %and3A_313 : vector<16xi32>
    %swap3A_315 = arith.constant 240 : index
    %swap3A_316 = tpu.vector_load %arg10[%swap3A_315] {strides = array<i32>} : memref<256xi32, #tpu.memory_space<vmem>>, vector<16xi32>,
    %swap3A_317 = vector.shape_cast %swap3A_316 : vector<16xi32> to vector<16xi32>
    %swap3A_318 = vector.shape_cast %and3A_314 : vector<16xi32> to vector<16xi32>
    tpu.vector_store %arg10[%swap3A_315], %swap3A_318 {strides = array<i32>} : memref<256xi32, #tpu.memory_space<vmem>>, vector<16xi32>,
    "tpu.region"() ({
      %run_scoped3A = tpu.sem_alloc : memref<!tpu.dma_semaphore, #tpu.memory_space<semaphore_mem>>
      %dma_start3A = tpu.memref_slice %arg6[%mul3A_2] : memref<8192xi32, #tpu.memory_space<hbm>> -> memref<256xi32, #tpu.memory_space<hbm>>
      %dma_start3A_639 = tpu.memref_slice %arg6[%mul3A_2] : memref<8192xi32, #tpu.memory_space<hbm>> -> memref<256xi32, #tpu.memory_space<hbm>>
      tpu.enqueue_dma source(%arg10 : memref<256xi32, #tpu.memory_space<vmem>>) target(%dma_start3A_639 : memref<256xi32, #tpu.memory_space<hbm>>) target_semaphore(%run_scoped3A : memref<!tpu.dma_semaphore, #tpu.memory_space<semaphore_mem>>)
      %dma_wait3A = tpu.memref_slice %arg6[%mul3A_2] : memref<8192xi32, #tpu.memory_space<hbm>> -> memref<256xi32, #tpu.memory_space<hbm>>
      %dma_wait3A_640 = tpu.memref_slice %arg6[%mul3A_2] : memref<8192xi32, #tpu.memory_space<hbm>> -> memref<256xi32, #tpu.memory_space<hbm>>
      tpu.wait_dma2 semaphore(%run_scoped3A : memref<!tpu.dma_semaphore, #tpu.memory_space<semaphore_mem>>) src(%arg10 : memref<256xi32, #tpu.memory_space<vmem>>) dst(%dma_wait3A_640 : memref<256xi32, #tpu.memory_space<hbm>>)
      tpu.yield
    }) : () -> ()
    "tpu.region"() ({
      %run_scoped3A = tpu.sem_alloc : memref<!tpu.dma_semaphore, #tpu.memory_space<semaphore_mem>>
      %dma_start3A = tpu.memref_slice %arg4[%mul3A_2] : memref<8192xi32, #tpu.memory_space<hbm>> -> memref<256xi32, #tpu.memory_space<hbm>>
      %dma_start3A_639 = tpu.memref_slice %arg4[%mul3A_2] : memref<8192xi32, #tpu.memory_space<hbm>> -> memref<256xi32, #tpu.memory_space<hbm>>
      tpu.enqueue_dma source(%dma_start3A_639 : memref<256xi32, #tpu.memory_space<hbm>>) target(%arg8 : memref<256xi32, #tpu.memory_space<vmem>>) target_semaphore(%run_scoped3A : memref<!tpu.dma_semaphore, #tpu.memory_space<semaphore_mem>>)
      %dma_wait3A = tpu.memref_slice %arg4[%mul3A_2] : memref<8192xi32, #tpu.memory_space<hbm>> -> memref<256xi32, #tpu.memory_space<hbm>>
      %dma_wait3A_640 = tpu.memref_slice %arg4[%mul3A_2] : memref<8192xi32, #tpu.memory_space<hbm>> -> memref<256xi32, #tpu.memory_space<hbm>>
      tpu.wait_dma2 semaphore(%run_scoped3A : memref<!tpu.dma_semaphore, #tpu.memory_space<semaphore_mem>>) src(%dma_wait3A_640 : memref<256xi32, #tpu.memory_space<hbm>>) dst(%arg8 : memref<256xi32, #tpu.memory_space<vmem>>)
      tpu.yield
    }) : () -> ()
    "tpu.region"() ({
      %run_scoped3A = tpu.sem_alloc : memref<!tpu.dma_semaphore, #tpu.memory_space<semaphore_mem>>
      %dma_start3A = tpu.memref_slice %arg5[%mul3A_2] : memref<8192xi32, #tpu.memory_space<hbm>> -> memref<256xi32, #tpu.memory_space<hbm>>
      %dma_start3A_639 = tpu.memref_slice %arg5[%mul3A_2] : memref<8192xi32, #tpu.memory_space<hbm>> -> memref<256xi32, #tpu.memory_space<hbm>>
      tpu.enqueue_dma source(%dma_start3A_639 : memref<256xi32, #tpu.memory_space<hbm>>) target(%arg9 : memref<256xi32, #tpu.memory_space<vmem>>) target_semaphore(%run_scoped3A : memref<!tpu.dma_semaphore, #tpu.memory_space<semaphore_mem>>)
      %dma_wait3A = tpu.memref_slice %arg5[%mul3A_2] : memref<8192xi32, #tpu.memory_space<hbm>> -> memref<256xi32, #tpu.memory_space<hbm>>
      %dma_wait3A_640 = tpu.memref_slice %arg5[%mul3A_2] : memref<8192xi32, #tpu.memory_space<hbm>> -> memref<256xi32, #tpu.memory_space<hbm>>
      tpu.wait_dma2 semaphore(%run_scoped3A : memref<!tpu.dma_semaphore, #tpu.memory_space<semaphore_mem>>) src(%dma_wait3A_640 : memref<256xi32, #tpu.memory_space<hbm>>) dst(%arg9 : memref<256xi32, #tpu.memory_space<vmem>>)
      tpu.yield
    }) : () -> ()
    %get3A_319 = arith.constant 0 : index
    %get3A_320 = tpu.vector_load %arg8[%get3A_319] {strides = array<i32>} : memref<256xi32, #tpu.memory_space<vmem>>, vector<16xi32>,
    %get3A_321 = vector.shape_cast %get3A_320 : vector<16xi32> to vector<16xi32>
    %get3A_322 = arith.constant 0 : index
    %get3A_323 = tpu.vector_load %arg9[%get3A_322] {strides = array<i32>} : memref<256xi32, #tpu.memory_space<vmem>>, vector<16xi32>,
    %get3A_324 = vector.shape_cast %get3A_323 : vector<16xi32> to vector<16xi32>
    %shift_left3A_325 = arith.constant 9 : i32
    %shift_left3A_326 = vector.broadcast %shift_left3A_325 : i32 to vector<16xi32>
    %shift_left3A_327 = arith.shli %get3A_324, %shift_left3A_326 : vector<16xi32>
    %and3A_328 = arith.constant 65535 : i32
    %and3A_329 = vector.broadcast %and3A_328 : i32 to vector<16xi32>
    %and3A_330 = arith.andi %shift_left3A_327, %and3A_329 : vector<16xi32>
    %add3A_331 = arith.addi %get3A_321, %and3A_330 : vector<16xi32>
    %and3A_332 = arith.constant 65535 : i32
    %and3A_333 = vector.broadcast %and3A_332 : i32 to vector<16xi32>
    %and3A_334 = arith.andi %add3A_331, %and3A_333 : vector<16xi32>
    %swap3A_335 = arith.constant 0 : index
    %swap3A_336 = tpu.vector_load %arg10[%swap3A_335] {strides = array<i32>} : memref<256xi32, #tpu.memory_space<vmem>>, vector<16xi32>,
    %swap3A_337 = vector.shape_cast %swap3A_336 : vector<16xi32> to vector<16xi32>
    %swap3A_338 = vector.shape_cast %and3A_334 : vector<16xi32> to vector<16xi32>
    tpu.vector_store %arg10[%swap3A_335], %swap3A_338 {strides = array<i32>} : memref<256xi32, #tpu.memory_space<vmem>>, vector<16xi32>,
    %get3A_339 = arith.constant 16 : index
    %get3A_340 = tpu.vector_load %arg8[%get3A_339] {strides = array<i32>} : memref<256xi32, #tpu.memory_space<vmem>>, vector<16xi32>,
    %get3A_341 = vector.shape_cast %get3A_340 : vector<16xi32> to vector<16xi32>
    %get3A_342 = arith.constant 16 : index
    %get3A_343 = tpu.vector_load %arg9[%get3A_342] {strides = array<i32>} : memref<256xi32, #tpu.memory_space<vmem>>, vector<16xi32>,
    %get3A_344 = vector.shape_cast %get3A_343 : vector<16xi32> to vector<16xi32>
    %shift_left3A_345 = arith.constant 9 : i32
    %shift_left3A_346 = vector.broadcast %shift_left3A_345 : i32 to vector<16xi32>
    %shift_left3A_347 = arith.shli %get3A_344, %shift_left3A_346 : vector<16xi32>
    %and3A_348 = arith.constant 65535 : i32
    %and3A_349 = vector.broadcast %and3A_348 : i32 to vector<16xi32>
    %and3A_350 = arith.andi %shift_left3A_347, %and3A_349 : vector<16xi32>
    %add3A_351 = arith.addi %get3A_341, %and3A_350 : vector<16xi32>
    %and3A_352 = arith.constant 65535 : i32
    %and3A_353 = vector.broadcast %and3A_352 : i32 to vector<16xi32>
    %and3A_354 = arith.andi %add3A_351, %and3A_353 : vector<16xi32>
    %swap3A_355 = arith.constant 16 : index
    %swap3A_356 = tpu.vector_load %arg10[%swap3A_355] {strides = array<i32>} : memref<256xi32, #tpu.memory_space<vmem>>, vector<16xi32>,
    %swap3A_357 = vector.shape_cast %swap3A_356 : vector<16xi32> to vector<16xi32>
    %swap3A_358 = vector.shape_cast %and3A_354 : vector<16xi32> to vector<16xi32>
    tpu.vector_store %arg10[%swap3A_355], %swap3A_358 {strides = array<i32>} : memref<256xi32, #tpu.memory_space<vmem>>, vector<16xi32>,
    %get3A_359 = arith.constant 32 : index
    %get3A_360 = tpu.vector_load %arg8[%get3A_359] {strides = array<i32>} : memref<256xi32, #tpu.memory_space<vmem>>, vector<16xi32>,
    %get3A_361 = vector.shape_cast %get3A_360 : vector<16xi32> to vector<16xi32>
    %get3A_362 = arith.constant 32 : index
    %get3A_363 = tpu.vector_load %arg9[%get3A_362] {strides = array<i32>} : memref<256xi32, #tpu.memory_space<vmem>>, vector<16xi32>,
    %get3A_364 = vector.shape_cast %get3A_363 : vector<16xi32> to vector<16xi32>
    %shift_left3A_365 = arith.constant 9 : i32
    %shift_left3A_366 = vector.broadcast %shift_left3A_365 : i32 to vector<16xi32>
    %shift_left3A_367 = arith.shli %get3A_364, %shift_left3A_366 : vector<16xi32>
    %and3A_368 = arith.constant 65535 : i32
    %and3A_369 = vector.broadcast %and3A_368 : i32 to vector<16xi32>
    %and3A_370 = arith.andi %shift_left3A_367, %and3A_369 : vector<16xi32>
    %add3A_371 = arith.addi %get3A_361, %and3A_370 : vector<16xi32>
    %and3A_372 = arith.constant 65535 : i32
    %and3A_373 = vector.broadcast %and3A_372 : i32 to vector<16xi32>
    %and3A_374 = arith.andi %add3A_371, %and3A_373 : vector<16xi32>
    %swap3A_375 = arith.constant 32 : index
    %swap3A_376 = tpu.vector_load %arg10[%swap3A_375] {strides = array<i32>} : memref<256xi32, #tpu.memory_space<vmem>>, vector<16xi32>,
    %swap3A_377 = vector.shape_cast %swap3A_376 : vector<16xi32> to vector<16xi32>
    %swap3A_378 = vector.shape_cast %and3A_374 : vector<16xi32> to vector<16xi32>
    tpu.vector_store %arg10[%swap3A_375], %swap3A_378 {strides = array<i32>} : memref<256xi32, #tpu.memory_space<vmem>>, vector<16xi32>,
    %get3A_379 = arith.constant 48 : index
    %get3A_380 = tpu.vector_load %arg8[%get3A_379] {strides = array<i32>} : memref<256xi32, #tpu.memory_space<vmem>>, vector<16xi32>,
    %get3A_381 = vector.shape_cast %get3A_380 : vector<16xi32> to vector<16xi32>
    %get3A_382 = arith.constant 48 : index
    %get3A_383 = tpu.vector_load %arg9[%get3A_382] {strides = array<i32>} : memref<256xi32, #tpu.memory_space<vmem>>, vector<16xi32>,
    %get3A_384 = vector.shape_cast %get3A_383 : vector<16xi32> to vector<16xi32>
    %shift_left3A_385 = arith.constant 9 : i32
    %shift_left3A_386 = vector.broadcast %shift_left3A_385 : i32 to vector<16xi32>
    %shift_left3A_387 = arith.shli %get3A_384, %shift_left3A_386 : vector<16xi32>
    %and3A_388 = arith.constant 65535 : i32
    %and3A_389 = vector.broadcast %and3A_388 : i32 to vector<16xi32>
    %and3A_390 = arith.andi %shift_left3A_387, %and3A_389 : vector<16xi32>
    %add3A_391 = arith.addi %get3A_381, %and3A_390 : vector<16xi32>
    %and3A_392 = arith.constant 65535 : i32
    %and3A_393 = vector.broadcast %and3A_392 : i32 to vector<16xi32>
    %and3A_394 = arith.andi %add3A_391, %and3A_393 : vector<16xi32>
    %swap3A_395 = arith.constant 48 : index
    %swap3A_396 = tpu.vector_load %arg10[%swap3A_395] {strides = array<i32>} : memref<256xi32, #tpu.memory_space<vmem>>, vector<16xi32>,
    %swap3A_397 = vector.shape_cast %swap3A_396 : vector<16xi32> to vector<16xi32>
    %swap3A_398 = vector.shape_cast %and3A_394 : vector<16xi32> to vector<16xi32>
    tpu.vector_store %arg10[%swap3A_395], %swap3A_398 {strides = array<i32>} : memref<256xi32, #tpu.memory_space<vmem>>, vector<16xi32>,
    %get3A_399 = arith.constant 64 : index
    %get3A_400 = tpu.vector_load %arg8[%get3A_399] {strides = array<i32>} : memref<256xi32, #tpu.memory_space<vmem>>, vector<16xi32>,
    %get3A_401 = vector.shape_cast %get3A_400 : vector<16xi32> to vector<16xi32>
    %get3A_402 = arith.constant 64 : index
    %get3A_403 = tpu.vector_load %arg9[%get3A_402] {strides = array<i32>} : memref<256xi32, #tpu.memory_space<vmem>>, vector<16xi32>,
    %get3A_404 = vector.shape_cast %get3A_403 : vector<16xi32> to vector<16xi32>
    %shift_left3A_405 = arith.constant 9 : i32
    %shift_left3A_406 = vector.broadcast %shift_left3A_405 : i32 to vector<16xi32>
    %shift_left3A_407 = arith.shli %get3A_404, %shift_left3A_406 : vector<16xi32>
    %and3A_408 = arith.constant 65535 : i32
    %and3A_409 = vector.broadcast %and3A_408 : i32 to vector<16xi32>
    %and3A_410 = arith.andi %shift_left3A_407, %and3A_409 : vector<16xi32>
    %add3A_411 = arith.addi %get3A_401, %and3A_410 : vector<16xi32>
    %and3A_412 = arith.constant 65535 : i32
    %and3A_413 = vector.broadcast %and3A_412 : i32 to vector<16xi32>
    %and3A_414 = arith.andi %add3A_411, %and3A_413 : vector<16xi32>
    %swap3A_415 = arith.constant 64 : index
    %swap3A_416 = tpu.vector_load %arg10[%swap3A_415] {strides = array<i32>} : memref<256xi32, #tpu.memory_space<vmem>>, vector<16xi32>,
    %swap3A_417 = vector.shape_cast %swap3A_416 : vector<16xi32> to vector<16xi32>
    %swap3A_418 = vector.shape_cast %and3A_414 : vector<16xi32> to vector<16xi32>
    tpu.vector_store %arg10[%swap3A_415], %swap3A_418 {strides = array<i32>} : memref<256xi32, #tpu.memory_space<vmem>>, vector<16xi32>,
    %get3A_419 = arith.constant 80 : index
    %get3A_420 = tpu.vector_load %arg8[%get3A_419] {strides = array<i32>} : memref<256xi32, #tpu.memory_space<vmem>>, vector<16xi32>,
    %get3A_421 = vector.shape_cast %get3A_420 : vector<16xi32> to vector<16xi32>
    %get3A_422 = arith.constant 80 : index
    %get3A_423 = tpu.vector_load %arg9[%get3A_422] {strides = array<i32>} : memref<256xi32, #tpu.memory_space<vmem>>, vector<16xi32>,
    %get3A_424 = vector.shape_cast %get3A_423 : vector<16xi32> to vector<16xi32>
    %shift_left3A_425 = arith.constant 9 : i32
    %shift_left3A_426 = vector.broadcast %shift_left3A_425 : i32 to vector<16xi32>
    %shift_left3A_427 = arith.shli %get3A_424, %shift_left3A_426 : vector<16xi32>
    %and3A_428 = arith.constant 65535 : i32
    %and3A_429 = vector.broadcast %and3A_428 : i32 to vector<16xi32>
    %and3A_430 = arith.andi %shift_left3A_427, %and3A_429 : vector<16xi32>
    %add3A_431 = arith.addi %get3A_421, %and3A_430 : vector<16xi32>
    %and3A_432 = arith.constant 65535 : i32
    %and3A_433 = vector.broadcast %and3A_432 : i32 to vector<16xi32>
    %and3A_434 = arith.andi %add3A_431, %and3A_433 : vector<16xi32>
    %swap3A_435 = arith.constant 80 : index
    %swap3A_436 = tpu.vector_load %arg10[%swap3A_435] {strides = array<i32>} : memref<256xi32, #tpu.memory_space<vmem>>, vector<16xi32>,
    %swap3A_437 = vector.shape_cast %swap3A_436 : vector<16xi32> to vector<16xi32>
    %swap3A_438 = vector.shape_cast %and3A_434 : vector<16xi32> to vector<16xi32>
    tpu.vector_store %arg10[%swap3A_435], %swap3A_438 {strides = array<i32>} : memref<256xi32, #tpu.memory_space<vmem>>, vector<16xi32>,
    %get3A_439 = arith.constant 96 : index
    %get3A_440 = tpu.vector_load %arg8[%get3A_439] {strides = array<i32>} : memref<256xi32, #tpu.memory_space<vmem>>, vector<16xi32>,
    %get3A_441 = vector.shape_cast %get3A_440 : vector<16xi32> to vector<16xi32>
    %get3A_442 = arith.constant 96 : index
    %get3A_443 = tpu.vector_load %arg9[%get3A_442] {strides = array<i32>} : memref<256xi32, #tpu.memory_space<vmem>>, vector<16xi32>,
    %get3A_444 = vector.shape_cast %get3A_443 : vector<16xi32> to vector<16xi32>
    %shift_left3A_445 = arith.constant 9 : i32
    %shift_left3A_446 = vector.broadcast %shift_left3A_445 : i32 to vector<16xi32>
    %shift_left3A_447 = arith.shli %get3A_444, %shift_left3A_446 : vector<16xi32>
    %and3A_448 = arith.constant 65535 : i32
    %and3A_449 = vector.broadcast %and3A_448 : i32 to vector<16xi32>
    %and3A_450 = arith.andi %shift_left3A_447, %and3A_449 : vector<16xi32>
    %add3A_451 = arith.addi %get3A_441, %and3A_450 : vector<16xi32>
    %and3A_452 = arith.constant 65535 : i32
    %and3A_453 = vector.broadcast %and3A_452 : i32 to vector<16xi32>
    %and3A_454 = arith.andi %add3A_451, %and3A_453 : vector<16xi32>
    %swap3A_455 = arith.constant 96 : index
    %swap3A_456 = tpu.vector_load %arg10[%swap3A_455] {strides = array<i32>} : memref<256xi32, #tpu.memory_space<vmem>>, vector<16xi32>,
    %swap3A_457 = vector.shape_cast %swap3A_456 : vector<16xi32> to vector<16xi32>
    %swap3A_458 = vector.shape_cast %and3A_454 : vector<16xi32> to vector<16xi32>
    tpu.vector_store %arg10[%swap3A_455], %swap3A_458 {strides = array<i32>} : memref<256xi32, #tpu.memory_space<vmem>>, vector<16xi32>,
    %get3A_459 = arith.constant 112 : index
    %get3A_460 = tpu.vector_load %arg8[%get3A_459] {strides = array<i32>} : memref<256xi32, #tpu.memory_space<vmem>>, vector<16xi32>,
    %get3A_461 = vector.shape_cast %get3A_460 : vector<16xi32> to vector<16xi32>
    %get3A_462 = arith.constant 112 : index
    %get3A_463 = tpu.vector_load %arg9[%get3A_462] {strides = array<i32>} : memref<256xi32, #tpu.memory_space<vmem>>, vector<16xi32>,
    %get3A_464 = vector.shape_cast %get3A_463 : vector<16xi32> to vector<16xi32>
    %shift_left3A_465 = arith.constant 9 : i32
    %shift_left3A_466 = vector.broadcast %shift_left3A_465 : i32 to vector<16xi32>
    %shift_left3A_467 = arith.shli %get3A_464, %shift_left3A_466 : vector<16xi32>
    %and3A_468 = arith.constant 65535 : i32
    %and3A_469 = vector.broadcast %and3A_468 : i32 to vector<16xi32>
    %and3A_470 = arith.andi %shift_left3A_467, %and3A_469 : vector<16xi32>
    %add3A_471 = arith.addi %get3A_461, %and3A_470 : vector<16xi32>
    %and3A_472 = arith.constant 65535 : i32
    %and3A_473 = vector.broadcast %and3A_472 : i32 to vector<16xi32>
    %and3A_474 = arith.andi %add3A_471, %and3A_473 : vector<16xi32>
    %swap3A_475 = arith.constant 112 : index
    %swap3A_476 = tpu.vector_load %arg10[%swap3A_475] {strides = array<i32>} : memref<256xi32, #tpu.memory_space<vmem>>, vector<16xi32>,
    %swap3A_477 = vector.shape_cast %swap3A_476 : vector<16xi32> to vector<16xi32>
    %swap3A_478 = vector.shape_cast %and3A_474 : vector<16xi32> to vector<16xi32>
    tpu.vector_store %arg10[%swap3A_475], %swap3A_478 {strides = array<i32>} : memref<256xi32, #tpu.memory_space<vmem>>, vector<16xi32>,
    %get3A_479 = arith.constant 128 : index
    %get3A_480 = tpu.vector_load %arg8[%get3A_479] {strides = array<i32>} : memref<256xi32, #tpu.memory_space<vmem>>, vector<16xi32>,
    %get3A_481 = vector.shape_cast %get3A_480 : vector<16xi32> to vector<16xi32>
    %get3A_482 = arith.constant 128 : index
    %get3A_483 = tpu.vector_load %arg9[%get3A_482] {strides = array<i32>} : memref<256xi32, #tpu.memory_space<vmem>>, vector<16xi32>,
    %get3A_484 = vector.shape_cast %get3A_483 : vector<16xi32> to vector<16xi32>
    %shift_left3A_485 = arith.constant 9 : i32
    %shift_left3A_486 = vector.broadcast %shift_left3A_485 : i32 to vector<16xi32>
    %shift_left3A_487 = arith.shli %get3A_484, %shift_left3A_486 : vector<16xi32>
    %and3A_488 = arith.constant 65535 : i32
    %and3A_489 = vector.broadcast %and3A_488 : i32 to vector<16xi32>
    %and3A_490 = arith.andi %shift_left3A_487, %and3A_489 : vector<16xi32>
    %add3A_491 = arith.addi %get3A_481, %and3A_490 : vector<16xi32>
    %and3A_492 = arith.constant 65535 : i32
    %and3A_493 = vector.broadcast %and3A_492 : i32 to vector<16xi32>
    %and3A_494 = arith.andi %add3A_491, %and3A_493 : vector<16xi32>
    %swap3A_495 = arith.constant 128 : index
    %swap3A_496 = tpu.vector_load %arg10[%swap3A_495] {strides = array<i32>} : memref<256xi32, #tpu.memory_space<vmem>>, vector<16xi32>,
    %swap3A_497 = vector.shape_cast %swap3A_496 : vector<16xi32> to vector<16xi32>
    %swap3A_498 = vector.shape_cast %and3A_494 : vector<16xi32> to vector<16xi32>
    tpu.vector_store %arg10[%swap3A_495], %swap3A_498 {strides = array<i32>} : memref<256xi32, #tpu.memory_space<vmem>>, vector<16xi32>,
    %get3A_499 = arith.constant 144 : index
    %get3A_500 = tpu.vector_load %arg8[%get3A_499] {strides = array<i32>} : memref<256xi32, #tpu.memory_space<vmem>>, vector<16xi32>,
    %get3A_501 = vector.shape_cast %get3A_500 : vector<16xi32> to vector<16xi32>
    %get3A_502 = arith.constant 144 : index
    %get3A_503 = tpu.vector_load %arg9[%get3A_502] {strides = array<i32>} : memref<256xi32, #tpu.memory_space<vmem>>, vector<16xi32>,
    %get3A_504 = vector.shape_cast %get3A_503 : vector<16xi32> to vector<16xi32>
    %shift_left3A_505 = arith.constant 9 : i32
    %shift_left3A_506 = vector.broadcast %shift_left3A_505 : i32 to vector<16xi32>
    %shift_left3A_507 = arith.shli %get3A_504, %shift_left3A_506 : vector<16xi32>
    %and3A_508 = arith.constant 65535 : i32
    %and3A_509 = vector.broadcast %and3A_508 : i32 to vector<16xi32>
    %and3A_510 = arith.andi %shift_left3A_507, %and3A_509 : vector<16xi32>
    %add3A_511 = arith.addi %get3A_501, %and3A_510 : vector<16xi32>
    %and3A_512 = arith.constant 65535 : i32
    %and3A_513 = vector.broadcast %and3A_512 : i32 to vector<16xi32>
    %and3A_514 = arith.andi %add3A_511, %and3A_513 : vector<16xi32>
    %swap3A_515 = arith.constant 144 : index
    %swap3A_516 = tpu.vector_load %arg10[%swap3A_515] {strides = array<i32>} : memref<256xi32, #tpu.memory_space<vmem>>, vector<16xi32>,
    %swap3A_517 = vector.shape_cast %swap3A_516 : vector<16xi32> to vector<16xi32>
    %swap3A_518 = vector.shape_cast %and3A_514 : vector<16xi32> to vector<16xi32>
    tpu.vector_store %arg10[%swap3A_515], %swap3A_518 {strides = array<i32>} : memref<256xi32, #tpu.memory_space<vmem>>, vector<16xi32>,
    %get3A_519 = arith.constant 160 : index
    %get3A_520 = tpu.vector_load %arg8[%get3A_519] {strides = array<i32>} : memref<256xi32, #tpu.memory_space<vmem>>, vector<16xi32>,
    %get3A_521 = vector.shape_cast %get3A_520 : vector<16xi32> to vector<16xi32>
    %get3A_522 = arith.constant 160 : index
    %get3A_523 = tpu.vector_load %arg9[%get3A_522] {strides = array<i32>} : memref<256xi32, #tpu.memory_space<vmem>>, vector<16xi32>,
    %get3A_524 = vector.shape_cast %get3A_523 : vector<16xi32> to vector<16xi32>
    %shift_left3A_525 = arith.constant 9 : i32
    %shift_left3A_526 = vector.broadcast %shift_left3A_525 : i32 to vector<16xi32>
    %shift_left3A_527 = arith.shli %get3A_524, %shift_left3A_526 : vector<16xi32>
    %and3A_528 = arith.constant 65535 : i32
    %and3A_529 = vector.broadcast %and3A_528 : i32 to vector<16xi32>
    %and3A_530 = arith.andi %shift_left3A_527, %and3A_529 : vector<16xi32>
    %add3A_531 = arith.addi %get3A_521, %and3A_530 : vector<16xi32>
    %and3A_532 = arith.constant 65535 : i32
    %and3A_533 = vector.broadcast %and3A_532 : i32 to vector<16xi32>
    %and3A_534 = arith.andi %add3A_531, %and3A_533 : vector<16xi32>
    %swap3A_535 = arith.constant 160 : index
    %swap3A_536 = tpu.vector_load %arg10[%swap3A_535] {strides = array<i32>} : memref<256xi32, #tpu.memory_space<vmem>>, vector<16xi32>,
    %swap3A_537 = vector.shape_cast %swap3A_536 : vector<16xi32> to vector<16xi32>
    %swap3A_538 = vector.shape_cast %and3A_534 : vector<16xi32> to vector<16xi32>
    tpu.vector_store %arg10[%swap3A_535], %swap3A_538 {strides = array<i32>} : memref<256xi32, #tpu.memory_space<vmem>>, vector<16xi32>,
    %get3A_539 = arith.constant 176 : index
    %get3A_540 = tpu.vector_load %arg8[%get3A_539] {strides = array<i32>} : memref<256xi32, #tpu.memory_space<vmem>>, vector<16xi32>,
    %get3A_541 = vector.shape_cast %get3A_540 : vector<16xi32> to vector<16xi32>
    %get3A_542 = arith.constant 176 : index
    %get3A_543 = tpu.vector_load %arg9[%get3A_542] {strides = array<i32>} : memref<256xi32, #tpu.memory_space<vmem>>, vector<16xi32>,
    %get3A_544 = vector.shape_cast %get3A_543 : vector<16xi32> to vector<16xi32>
    %shift_left3A_545 = arith.constant 9 : i32
    %shift_left3A_546 = vector.broadcast %shift_left3A_545 : i32 to vector<16xi32>
    %shift_left3A_547 = arith.shli %get3A_544, %shift_left3A_546 : vector<16xi32>
    %and3A_548 = arith.constant 65535 : i32
    %and3A_549 = vector.broadcast %and3A_548 : i32 to vector<16xi32>
    %and3A_550 = arith.andi %shift_left3A_547, %and3A_549 : vector<16xi32>
    %add3A_551 = arith.addi %get3A_541, %and3A_550 : vector<16xi32>
    %and3A_552 = arith.constant 65535 : i32
    %and3A_553 = vector.broadcast %and3A_552 : i32 to vector<16xi32>
    %and3A_554 = arith.andi %add3A_551, %and3A_553 : vector<16xi32>
    %swap3A_555 = arith.constant 176 : index
    %swap3A_556 = tpu.vector_load %arg10[%swap3A_555] {strides = array<i32>} : memref<256xi32, #tpu.memory_space<vmem>>, vector<16xi32>,
    %swap3A_557 = vector.shape_cast %swap3A_556 : vector<16xi32> to vector<16xi32>
    %swap3A_558 = vector.shape_cast %and3A_554 : vector<16xi32> to vector<16xi32>
    tpu.vector_store %arg10[%swap3A_555], %swap3A_558 {strides = array<i32>} : memref<256xi32, #tpu.memory_space<vmem>>, vector<16xi32>,
    %get3A_559 = arith.constant 192 : index
    %get3A_560 = tpu.vector_load %arg8[%get3A_559] {strides = array<i32>} : memref<256xi32, #tpu.memory_space<vmem>>, vector<16xi32>,
    %get3A_561 = vector.shape_cast %get3A_560 : vector<16xi32> to vector<16xi32>
    %get3A_562 = arith.constant 192 : index
    %get3A_563 = tpu.vector_load %arg9[%get3A_562] {strides = array<i32>} : memref<256xi32, #tpu.memory_space<vmem>>, vector<16xi32>,
    %get3A_564 = vector.shape_cast %get3A_563 : vector<16xi32> to vector<16xi32>
    %shift_left3A_565 = arith.constant 9 : i32
    %shift_left3A_566 = vector.broadcast %shift_left3A_565 : i32 to vector<16xi32>
    %shift_left3A_567 = arith.shli %get3A_564, %shift_left3A_566 : vector<16xi32>
    %and3A_568 = arith.constant 65535 : i32
    %and3A_569 = vector.broadcast %and3A_568 : i32 to vector<16xi32>
    %and3A_570 = arith.andi %shift_left3A_567, %and3A_569 : vector<16xi32>
    %add3A_571 = arith.addi %get3A_561, %and3A_570 : vector<16xi32>
    %and3A_572 = arith.constant 65535 : i32
    %and3A_573 = vector.broadcast %and3A_572 : i32 to vector<16xi32>
    %and3A_574 = arith.andi %add3A_571, %and3A_573 : vector<16xi32>
    %swap3A_575 = arith.constant 192 : index
    %swap3A_576 = tpu.vector_load %arg10[%swap3A_575] {strides = array<i32>} : memref<256xi32, #tpu.memory_space<vmem>>, vector<16xi32>,
    %swap3A_577 = vector.shape_cast %swap3A_576 : vector<16xi32> to vector<16xi32>
    %swap3A_578 = vector.shape_cast %and3A_574 : vector<16xi32> to vector<16xi32>
    tpu.vector_store %arg10[%swap3A_575], %swap3A_578 {strides = array<i32>} : memref<256xi32, #tpu.memory_space<vmem>>, vector<16xi32>,
    %get3A_579 = arith.constant 208 : index
    %get3A_580 = tpu.vector_load %arg8[%get3A_579] {strides = array<i32>} : memref<256xi32, #tpu.memory_space<vmem>>, vector<16xi32>,
    %get3A_581 = vector.shape_cast %get3A_580 : vector<16xi32> to vector<16xi32>
    %get3A_582 = arith.constant 208 : index
    %get3A_583 = tpu.vector_load %arg9[%get3A_582] {strides = array<i32>} : memref<256xi32, #tpu.memory_space<vmem>>, vector<16xi32>,
    %get3A_584 = vector.shape_cast %get3A_583 : vector<16xi32> to vector<16xi32>
    %shift_left3A_585 = arith.constant 9 : i32
    %shift_left3A_586 = vector.broadcast %shift_left3A_585 : i32 to vector<16xi32>
    %shift_left3A_587 = arith.shli %get3A_584, %shift_left3A_586 : vector<16xi32>
    %and3A_588 = arith.constant 65535 : i32
    %and3A_589 = vector.broadcast %and3A_588 : i32 to vector<16xi32>
    %and3A_590 = arith.andi %shift_left3A_587, %and3A_589 : vector<16xi32>
    %add3A_591 = arith.addi %get3A_581, %and3A_590 : vector<16xi32>
    %and3A_592 = arith.constant 65535 : i32
    %and3A_593 = vector.broadcast %and3A_592 : i32 to vector<16xi32>
    %and3A_594 = arith.andi %add3A_591, %and3A_593 : vector<16xi32>
    %swap3A_595 = arith.constant 208 : index
    %swap3A_596 = tpu.vector_load %arg10[%swap3A_595] {strides = array<i32>} : memref<256xi32, #tpu.memory_space<vmem>>, vector<16xi32>,
    %swap3A_597 = vector.shape_cast %swap3A_596 : vector<16xi32> to vector<16xi32>
    %swap3A_598 = vector.shape_cast %and3A_594 : vector<16xi32> to vector<16xi32>
    tpu.vector_store %arg10[%swap3A_595], %swap3A_598 {strides = array<i32>} : memref<256xi32, #tpu.memory_space<vmem>>, vector<16xi32>,
    %get3A_599 = arith.constant 224 : index
    %get3A_600 = tpu.vector_load %arg8[%get3A_599] {strides = array<i32>} : memref<256xi32, #tpu.memory_space<vmem>>, vector<16xi32>,
    %get3A_601 = vector.shape_cast %get3A_600 : vector<16xi32> to vector<16xi32>
    %get3A_602 = arith.constant 224 : index
    %get3A_603 = tpu.vector_load %arg9[%get3A_602] {strides = array<i32>} : memref<256xi32, #tpu.memory_space<vmem>>, vector<16xi32>,
    %get3A_604 = vector.shape_cast %get3A_603 : vector<16xi32> to vector<16xi32>
    %shift_left3A_605 = arith.constant 9 : i32
    %shift_left3A_606 = vector.broadcast %shift_left3A_605 : i32 to vector<16xi32>
    %shift_left3A_607 = arith.shli %get3A_604, %shift_left3A_606 : vector<16xi32>
    %and3A_608 = arith.constant 65535 : i32
    %and3A_609 = vector.broadcast %and3A_608 : i32 to vector<16xi32>
    %and3A_610 = arith.andi %shift_left3A_607, %and3A_609 : vector<16xi32>
    %add3A_611 = arith.addi %get3A_601, %and3A_610 : vector<16xi32>
    %and3A_612 = arith.constant 65535 : i32
    %and3A_613 = vector.broadcast %and3A_612 : i32 to vector<16xi32>
    %and3A_614 = arith.andi %add3A_611, %and3A_613 : vector<16xi32>
    %swap3A_615 = arith.constant 224 : index
    %swap3A_616 = tpu.vector_load %arg10[%swap3A_615] {strides = array<i32>} : memref<256xi32, #tpu.memory_space<vmem>>, vector<16xi32>,
    %swap3A_617 = vector.shape_cast %swap3A_616 : vector<16xi32> to vector<16xi32>
    %swap3A_618 = vector.shape_cast %and3A_614 : vector<16xi32> to vector<16xi32>
    tpu.vector_store %arg10[%swap3A_615], %swap3A_618 {strides = array<i32>} : memref<256xi32, #tpu.memory_space<vmem>>, vector<16xi32>,
    %get3A_619 = arith.constant 240 : index
    %get3A_620 = tpu.vector_load %arg8[%get3A_619] {strides = array<i32>} : memref<256xi32, #tpu.memory_space<vmem>>, vector<16xi32>,
    %get3A_621 = vector.shape_cast %get3A_620 : vector<16xi32> to vector<16xi32>
    %get3A_622 = arith.constant 240 : index
    %get3A_623 = tpu.vector_load %arg9[%get3A_622] {strides = array<i32>} : memref<256xi32, #tpu.memory_space<vmem>>, vector<16xi32>,
    %get3A_624 = vector.shape_cast %get3A_623 : vector<16xi32> to vector<16xi32>
    %shift_left3A_625 = arith.constant 9 : i32
    %shift_left3A_626 = vector.broadcast %shift_left3A_625 : i32 to vector<16xi32>
    %shift_left3A_627 = arith.shli %get3A_624, %shift_left3A_626 : vector<16xi32>
    %and3A_628 = arith.constant 65535 : i32
    %and3A_629 = vector.broadcast %and3A_628 : i32 to vector<16xi32>
    %and3A_630 = arith.andi %shift_left3A_627, %and3A_629 : vector<16xi32>
    %add3A_631 = arith.addi %get3A_621, %and3A_630 : vector<16xi32>
    %and3A_632 = arith.constant 65535 : i32
    %and3A_633 = vector.broadcast %and3A_632 : i32 to vector<16xi32>
    %and3A_634 = arith.andi %add3A_631, %and3A_633 : vector<16xi32>
    %swap3A_635 = arith.constant 240 : index
    %swap3A_636 = tpu.vector_load %arg10[%swap3A_635] {strides = array<i32>} : memref<256xi32, #tpu.memory_space<vmem>>, vector<16xi32>,
    %swap3A_637 = vector.shape_cast %swap3A_636 : vector<16xi32> to vector<16xi32>
    %swap3A_638 = vector.shape_cast %and3A_634 : vector<16xi32> to vector<16xi32>
    tpu.vector_store %arg10[%swap3A_635], %swap3A_638 {strides = array<i32>} : memref<256xi32, #tpu.memory_space<vmem>>, vector<16xi32>,
    "tpu.region"() ({
      %run_scoped3A = tpu.sem_alloc : memref<!tpu.dma_semaphore, #tpu.memory_space<semaphore_mem>>
      %dma_start3A = tpu.memref_slice %arg7[%mul3A_2] : memref<8192xi32, #tpu.memory_space<hbm>> -> memref<256xi32, #tpu.memory_space<hbm>>
      %dma_start3A_639 = tpu.memref_slice %arg7[%mul3A_2] : memref<8192xi32, #tpu.memory_space<hbm>> -> memref<256xi32, #tpu.memory_space<hbm>>
      tpu.enqueue_dma source(%arg10 : memref<256xi32, #tpu.memory_space<vmem>>) target(%dma_start3A_639 : memref<256xi32, #tpu.memory_space<hbm>>) target_semaphore(%run_scoped3A : memref<!tpu.dma_semaphore, #tpu.memory_space<semaphore_mem>>)
      %dma_wait3A = tpu.memref_slice %arg7[%mul3A_2] : memref<8192xi32, #tpu.memory_space<hbm>> -> memref<256xi32, #tpu.memory_space<hbm>>
      %dma_wait3A_640 = tpu.memref_slice %arg7[%mul3A_2] : memref<8192xi32, #tpu.memory_space<hbm>> -> memref<256xi32, #tpu.memory_space<hbm>>
      tpu.wait_dma2 semaphore(%run_scoped3A : memref<!tpu.dma_semaphore, #tpu.memory_space<semaphore_mem>>) src(%arg10 : memref<256xi32, #tpu.memory_space<vmem>>) dst(%dma_wait3A_640 : memref<256xi32, #tpu.memory_space<hbm>>)
      tpu.yield
    }) : () -> ()
    return
  }
}

module attributes {stable_mosaic.version = 14 : i64} {
  func.func @_body(%arg0: i32, %arg1: memref<1x1xi32, #tpu.memory_space<smem>>, %arg2: memref<256x2048xf32, #tpu.memory_space<vmem>>, %arg3: memref<512x2048xf32, #tpu.memory_space<vmem>>, %arg4: memref<512x2048xf32, #tpu.memory_space<vmem>>, %arg5: memref<8x512x64xf32, #tpu.memory_space<vmem>>, %arg6: memref<8x512x64xf32, #tpu.memory_space<vmem>>, %arg7: memref<256x2xi32, #tpu.memory_space<vmem>>, %arg8: memref<256x2xi32, #tpu.memory_space<vmem>>, %arg9: memref<256x2xi32, #tpu.memory_space<vmem>>, %arg10: memref<256x2xi32, #tpu.memory_space<vmem>>, %arg11: memref<256x4096xf32, #tpu.memory_space<vmem>>, %arg12: memref<256x4096xf32, #tpu.memory_space<vmem>>, %arg13: memref<16x512xf32, #tpu.memory_space<vmem>>) attributes {dimension_semantics = [#tpu.dimension_semantics<arbitrary>], iteration_bounds = array<i64: 16>, scalar_prefetch = 0 : i64, scratch_operands = 1 : i64, tpu.core_type = #tpu.core_type<tc>, window_params = [{transform_indices = @transform_0, window_bounds = array<i64: 1, 1>}, {transform_indices = @transform_1, window_bounds = array<i64: 256, 2048>}, {pipeline_mode = #tpu.pipeline_mode<synchronous>, transform_indices = @transform_2, window_bounds = array<i64: 512, 2048>}, {pipeline_mode = #tpu.pipeline_mode<synchronous>, transform_indices = @transform_3, window_bounds = array<i64: 512, 2048>}, {pipeline_mode = #tpu.pipeline_mode<synchronous>, transform_indices = @transform_4, window_bounds = array<i64: 8, 512, 64>}, {pipeline_mode = #tpu.pipeline_mode<synchronous>, transform_indices = @transform_5, window_bounds = array<i64: 8, 512, 64>}, {transform_indices = @transform_6, window_bounds = array<i64: 256, 2>}, {transform_indices = @transform_7, window_bounds = array<i64: 256, 2>}, {transform_indices = @transform_8, window_bounds = array<i64: 256, 2>}, {transform_indices = @transform_9, window_bounds = array<i64: 256, 2>}, {transform_indices = @transform_10, window_bounds = array<i64: 256, 4096>}, {transform_indices = @transform_11, window_bounds = array<i64: 256, 4096>}]} {
    %get3A = arith.constant 0 : index
    %get3A_0 = arith.constant 0 : index
    %get3A_1 = memref.load %arg1[%get3A, %get3A_0] : memref<1x1xi32, #tpu.memory_space<smem>>
    %ne3A = arith.constant 0 : i32
    %ne3A_2 = arith.cmpi ne, %get3A_1, %ne3A : i32
    %jit3A = arith.constant 1.000000e+00 : f32
    %jit3A_3 = arith.constant 0.000000e+00 : f32
    %select_n3A = arith.select %ne3A_2, %jit3A, %jit3A_3 : f32
    %eq3A = arith.constant 0 : i32
    %eq3A_4 = arith.cmpi eq, %arg0, %eq3A : i32
    %convert_element_type3A = arith.extui %eq3A_4 : i1 to i32
    %cond3A = arith.constant 0 : i32
    %cond3A_5 = arith.cmpi ne, %convert_element_type3A, %cond3A : i32
    scf.if %cond3A_5 {
      %get3A_504 = arith.constant 0 : index
      %get3A_505 = arith.constant 0 : index
      %get3A_506 = arith.constant 0 : index
      %get3A_507 = vector.load %arg5[%get3A_504, %get3A_505, %get3A_506] : memref<8x512x64xf32, #tpu.memory_space<vmem>>, vector<1x512x64xf32>
      %get3A_508 = vector.shape_cast %get3A_507 : vector<1x512x64xf32> to vector<512x64xf32>
      %transpose3A = tpu.transpose %get3A_508, [1, 0] : vector<512x64xf32> -> vector<64x512xf32>
      %mul3A_509 = arith.mulf %transpose3A, %transpose3A : vector<64x512xf32>
      %reduce_sum3A_510 = arith.constant dense<0.000000e+00> : vector<512xf32>
      %reduce_sum3A_511 = vector.multi_reduction <add>, %mul3A_509, %reduce_sum3A_510 [0] : vector<64x512xf32> to vector<512xf32>
      %broadcast_in_dim3A_512 = vector.shape_cast %reduce_sum3A_511 : vector<512xf32> to vector<1x512xf32>
      %mul3A_513 = arith.constant 2.500000e-01 : f32
      %mul3A_514 = vector.broadcast %mul3A_513 : f32 to vector<1x512xf32>
      %mul3A_515 = arith.mulf %mul3A_514, %broadcast_in_dim3A_512 : vector<1x512xf32>
      %swap3A_516 = arith.constant 0 : index
      %swap3A_517 = arith.constant 0 : index
      %swap3A_518 = vector.load %arg13[%swap3A_516, %swap3A_517] : memref<16x512xf32, #tpu.memory_space<vmem>>, vector<1x512xf32>
      tpu.vector_store %arg13[%swap3A_516, %swap3A_517], %mul3A_515 {strides = array<i32>} : memref<16x512xf32, #tpu.memory_space<vmem>>, vector<1x512xf32>,
      %get3A_519 = arith.constant 1 : index
      %get3A_520 = arith.constant 0 : index
      %get3A_521 = arith.constant 0 : index
      %get3A_522 = vector.load %arg5[%get3A_519, %get3A_520, %get3A_521] : memref<8x512x64xf32, #tpu.memory_space<vmem>>, vector<1x512x64xf32>
      %get3A_523 = vector.shape_cast %get3A_522 : vector<1x512x64xf32> to vector<512x64xf32>
      %transpose3A_524 = tpu.transpose %get3A_523, [1, 0] : vector<512x64xf32> -> vector<64x512xf32>
      %mul3A_525 = arith.mulf %transpose3A_524, %transpose3A_524 : vector<64x512xf32>
      %reduce_sum3A_526 = arith.constant dense<0.000000e+00> : vector<512xf32>
      %reduce_sum3A_527 = vector.multi_reduction <add>, %mul3A_525, %reduce_sum3A_526 [0] : vector<64x512xf32> to vector<512xf32>
      %broadcast_in_dim3A_528 = vector.shape_cast %reduce_sum3A_527 : vector<512xf32> to vector<1x512xf32>
      %mul3A_529 = arith.constant 2.500000e-01 : f32
      %mul3A_530 = vector.broadcast %mul3A_529 : f32 to vector<1x512xf32>
      %mul3A_531 = arith.mulf %mul3A_530, %broadcast_in_dim3A_528 : vector<1x512xf32>
      %swap3A_532 = arith.constant 1 : index
      %swap3A_533 = arith.constant 0 : index
      %swap3A_534 = vector.load %arg13[%swap3A_532, %swap3A_533] : memref<16x512xf32, #tpu.memory_space<vmem>>, vector<1x512xf32>
      tpu.vector_store %arg13[%swap3A_532, %swap3A_533], %mul3A_531 {strides = array<i32>} : memref<16x512xf32, #tpu.memory_space<vmem>>, vector<1x512xf32>,
      %get3A_535 = arith.constant 2 : index
      %get3A_536 = arith.constant 0 : index
      %get3A_537 = arith.constant 0 : index
      %get3A_538 = vector.load %arg5[%get3A_535, %get3A_536, %get3A_537] : memref<8x512x64xf32, #tpu.memory_space<vmem>>, vector<1x512x64xf32>
      %get3A_539 = vector.shape_cast %get3A_538 : vector<1x512x64xf32> to vector<512x64xf32>
      %transpose3A_540 = tpu.transpose %get3A_539, [1, 0] : vector<512x64xf32> -> vector<64x512xf32>
      %mul3A_541 = arith.mulf %transpose3A_540, %transpose3A_540 : vector<64x512xf32>
      %reduce_sum3A_542 = arith.constant dense<0.000000e+00> : vector<512xf32>
      %reduce_sum3A_543 = vector.multi_reduction <add>, %mul3A_541, %reduce_sum3A_542 [0] : vector<64x512xf32> to vector<512xf32>
      %broadcast_in_dim3A_544 = vector.shape_cast %reduce_sum3A_543 : vector<512xf32> to vector<1x512xf32>
      %mul3A_545 = arith.constant 2.500000e-01 : f32
      %mul3A_546 = vector.broadcast %mul3A_545 : f32 to vector<1x512xf32>
      %mul3A_547 = arith.mulf %mul3A_546, %broadcast_in_dim3A_544 : vector<1x512xf32>
      %swap3A_548 = arith.constant 2 : index
      %swap3A_549 = arith.constant 0 : index
      %swap3A_550 = vector.load %arg13[%swap3A_548, %swap3A_549] : memref<16x512xf32, #tpu.memory_space<vmem>>, vector<1x512xf32>
      tpu.vector_store %arg13[%swap3A_548, %swap3A_549], %mul3A_547 {strides = array<i32>} : memref<16x512xf32, #tpu.memory_space<vmem>>, vector<1x512xf32>,
      %get3A_551 = arith.constant 3 : index
      %get3A_552 = arith.constant 0 : index
      %get3A_553 = arith.constant 0 : index
      %get3A_554 = vector.load %arg5[%get3A_551, %get3A_552, %get3A_553] : memref<8x512x64xf32, #tpu.memory_space<vmem>>, vector<1x512x64xf32>
      %get3A_555 = vector.shape_cast %get3A_554 : vector<1x512x64xf32> to vector<512x64xf32>
      %transpose3A_556 = tpu.transpose %get3A_555, [1, 0] : vector<512x64xf32> -> vector<64x512xf32>
      %mul3A_557 = arith.mulf %transpose3A_556, %transpose3A_556 : vector<64x512xf32>
      %reduce_sum3A_558 = arith.constant dense<0.000000e+00> : vector<512xf32>
      %reduce_sum3A_559 = vector.multi_reduction <add>, %mul3A_557, %reduce_sum3A_558 [0] : vector<64x512xf32> to vector<512xf32>
      %broadcast_in_dim3A_560 = vector.shape_cast %reduce_sum3A_559 : vector<512xf32> to vector<1x512xf32>
      %mul3A_561 = arith.constant 2.500000e-01 : f32
      %mul3A_562 = vector.broadcast %mul3A_561 : f32 to vector<1x512xf32>
      %mul3A_563 = arith.mulf %mul3A_562, %broadcast_in_dim3A_560 : vector<1x512xf32>
      %swap3A_564 = arith.constant 3 : index
      %swap3A_565 = arith.constant 0 : index
      %swap3A_566 = vector.load %arg13[%swap3A_564, %swap3A_565] : memref<16x512xf32, #tpu.memory_space<vmem>>, vector<1x512xf32>
      tpu.vector_store %arg13[%swap3A_564, %swap3A_565], %mul3A_563 {strides = array<i32>} : memref<16x512xf32, #tpu.memory_space<vmem>>, vector<1x512xf32>,
      %get3A_567 = arith.constant 4 : index
      %get3A_568 = arith.constant 0 : index
      %get3A_569 = arith.constant 0 : index
      %get3A_570 = vector.load %arg5[%get3A_567, %get3A_568, %get3A_569] : memref<8x512x64xf32, #tpu.memory_space<vmem>>, vector<1x512x64xf32>
      %get3A_571 = vector.shape_cast %get3A_570 : vector<1x512x64xf32> to vector<512x64xf32>
      %transpose3A_572 = tpu.transpose %get3A_571, [1, 0] : vector<512x64xf32> -> vector<64x512xf32>
      %mul3A_573 = arith.mulf %transpose3A_572, %transpose3A_572 : vector<64x512xf32>
      %reduce_sum3A_574 = arith.constant dense<0.000000e+00> : vector<512xf32>
      %reduce_sum3A_575 = vector.multi_reduction <add>, %mul3A_573, %reduce_sum3A_574 [0] : vector<64x512xf32> to vector<512xf32>
      %broadcast_in_dim3A_576 = vector.shape_cast %reduce_sum3A_575 : vector<512xf32> to vector<1x512xf32>
      %mul3A_577 = arith.constant 2.500000e-01 : f32
      %mul3A_578 = vector.broadcast %mul3A_577 : f32 to vector<1x512xf32>
      %mul3A_579 = arith.mulf %mul3A_578, %broadcast_in_dim3A_576 : vector<1x512xf32>
      %swap3A_580 = arith.constant 4 : index
      %swap3A_581 = arith.constant 0 : index
      %swap3A_582 = vector.load %arg13[%swap3A_580, %swap3A_581] : memref<16x512xf32, #tpu.memory_space<vmem>>, vector<1x512xf32>
      tpu.vector_store %arg13[%swap3A_580, %swap3A_581], %mul3A_579 {strides = array<i32>} : memref<16x512xf32, #tpu.memory_space<vmem>>, vector<1x512xf32>,
      %get3A_583 = arith.constant 5 : index
      %get3A_584 = arith.constant 0 : index
      %get3A_585 = arith.constant 0 : index
      %get3A_586 = vector.load %arg5[%get3A_583, %get3A_584, %get3A_585] : memref<8x512x64xf32, #tpu.memory_space<vmem>>, vector<1x512x64xf32>
      %get3A_587 = vector.shape_cast %get3A_586 : vector<1x512x64xf32> to vector<512x64xf32>
      %transpose3A_588 = tpu.transpose %get3A_587, [1, 0] : vector<512x64xf32> -> vector<64x512xf32>
      %mul3A_589 = arith.mulf %transpose3A_588, %transpose3A_588 : vector<64x512xf32>
      %reduce_sum3A_590 = arith.constant dense<0.000000e+00> : vector<512xf32>
      %reduce_sum3A_591 = vector.multi_reduction <add>, %mul3A_589, %reduce_sum3A_590 [0] : vector<64x512xf32> to vector<512xf32>
      %broadcast_in_dim3A_592 = vector.shape_cast %reduce_sum3A_591 : vector<512xf32> to vector<1x512xf32>
      %mul3A_593 = arith.constant 2.500000e-01 : f32
      %mul3A_594 = vector.broadcast %mul3A_593 : f32 to vector<1x512xf32>
      %mul3A_595 = arith.mulf %mul3A_594, %broadcast_in_dim3A_592 : vector<1x512xf32>
      %swap3A_596 = arith.constant 5 : index
      %swap3A_597 = arith.constant 0 : index
      %swap3A_598 = vector.load %arg13[%swap3A_596, %swap3A_597] : memref<16x512xf32, #tpu.memory_space<vmem>>, vector<1x512xf32>
      tpu.vector_store %arg13[%swap3A_596, %swap3A_597], %mul3A_595 {strides = array<i32>} : memref<16x512xf32, #tpu.memory_space<vmem>>, vector<1x512xf32>,
      %get3A_599 = arith.constant 6 : index
      %get3A_600 = arith.constant 0 : index
      %get3A_601 = arith.constant 0 : index
      %get3A_602 = vector.load %arg5[%get3A_599, %get3A_600, %get3A_601] : memref<8x512x64xf32, #tpu.memory_space<vmem>>, vector<1x512x64xf32>
      %get3A_603 = vector.shape_cast %get3A_602 : vector<1x512x64xf32> to vector<512x64xf32>
      %transpose3A_604 = tpu.transpose %get3A_603, [1, 0] : vector<512x64xf32> -> vector<64x512xf32>
      %mul3A_605 = arith.mulf %transpose3A_604, %transpose3A_604 : vector<64x512xf32>
      %reduce_sum3A_606 = arith.constant dense<0.000000e+00> : vector<512xf32>
      %reduce_sum3A_607 = vector.multi_reduction <add>, %mul3A_605, %reduce_sum3A_606 [0] : vector<64x512xf32> to vector<512xf32>
      %broadcast_in_dim3A_608 = vector.shape_cast %reduce_sum3A_607 : vector<512xf32> to vector<1x512xf32>
      %mul3A_609 = arith.constant 2.500000e-01 : f32
      %mul3A_610 = vector.broadcast %mul3A_609 : f32 to vector<1x512xf32>
      %mul3A_611 = arith.mulf %mul3A_610, %broadcast_in_dim3A_608 : vector<1x512xf32>
      %swap3A_612 = arith.constant 6 : index
      %swap3A_613 = arith.constant 0 : index
      %swap3A_614 = vector.load %arg13[%swap3A_612, %swap3A_613] : memref<16x512xf32, #tpu.memory_space<vmem>>, vector<1x512xf32>
      tpu.vector_store %arg13[%swap3A_612, %swap3A_613], %mul3A_611 {strides = array<i32>} : memref<16x512xf32, #tpu.memory_space<vmem>>, vector<1x512xf32>,
      %get3A_615 = arith.constant 7 : index
      %get3A_616 = arith.constant 0 : index
      %get3A_617 = arith.constant 0 : index
      %get3A_618 = vector.load %arg5[%get3A_615, %get3A_616, %get3A_617] : memref<8x512x64xf32, #tpu.memory_space<vmem>>, vector<1x512x64xf32>
      %get3A_619 = vector.shape_cast %get3A_618 : vector<1x512x64xf32> to vector<512x64xf32>
      %transpose3A_620 = tpu.transpose %get3A_619, [1, 0] : vector<512x64xf32> -> vector<64x512xf32>
      %mul3A_621 = arith.mulf %transpose3A_620, %transpose3A_620 : vector<64x512xf32>
      %reduce_sum3A_622 = arith.constant dense<0.000000e+00> : vector<512xf32>
      %reduce_sum3A_623 = vector.multi_reduction <add>, %mul3A_621, %reduce_sum3A_622 [0] : vector<64x512xf32> to vector<512xf32>
      %broadcast_in_dim3A_624 = vector.shape_cast %reduce_sum3A_623 : vector<512xf32> to vector<1x512xf32>
      %mul3A_625 = arith.constant 2.500000e-01 : f32
      %mul3A_626 = vector.broadcast %mul3A_625 : f32 to vector<1x512xf32>
      %mul3A_627 = arith.mulf %mul3A_626, %broadcast_in_dim3A_624 : vector<1x512xf32>
      %swap3A_628 = arith.constant 7 : index
      %swap3A_629 = arith.constant 0 : index
      %swap3A_630 = vector.load %arg13[%swap3A_628, %swap3A_629] : memref<16x512xf32, #tpu.memory_space<vmem>>, vector<1x512xf32>
      tpu.vector_store %arg13[%swap3A_628, %swap3A_629], %mul3A_627 {strides = array<i32>} : memref<16x512xf32, #tpu.memory_space<vmem>>, vector<1x512xf32>,
      %get3A_631 = arith.constant 0 : index
      %get3A_632 = arith.constant 0 : index
      %get3A_633 = arith.constant 0 : index
      %get3A_634 = vector.load %arg6[%get3A_631, %get3A_632, %get3A_633] : memref<8x512x64xf32, #tpu.memory_space<vmem>>, vector<1x512x64xf32>
      %get3A_635 = vector.shape_cast %get3A_634 : vector<1x512x64xf32> to vector<512x64xf32>
      %transpose3A_636 = tpu.transpose %get3A_635, [1, 0] : vector<512x64xf32> -> vector<64x512xf32>
      %mul3A_637 = arith.mulf %transpose3A_636, %transpose3A_636 : vector<64x512xf32>
      %reduce_sum3A_638 = arith.constant dense<0.000000e+00> : vector<512xf32>
      %reduce_sum3A_639 = vector.multi_reduction <add>, %mul3A_637, %reduce_sum3A_638 [0] : vector<64x512xf32> to vector<512xf32>
      %broadcast_in_dim3A_640 = vector.shape_cast %reduce_sum3A_639 : vector<512xf32> to vector<1x512xf32>
      %mul3A_641 = arith.constant 2.500000e-01 : f32
      %mul3A_642 = vector.broadcast %mul3A_641 : f32 to vector<1x512xf32>
      %mul3A_643 = arith.mulf %mul3A_642, %broadcast_in_dim3A_640 : vector<1x512xf32>
      %swap3A_644 = arith.constant 8 : index
      %swap3A_645 = arith.constant 0 : index
      %swap3A_646 = vector.load %arg13[%swap3A_644, %swap3A_645] : memref<16x512xf32, #tpu.memory_space<vmem>>, vector<1x512xf32>
      tpu.vector_store %arg13[%swap3A_644, %swap3A_645], %mul3A_643 {strides = array<i32>} : memref<16x512xf32, #tpu.memory_space<vmem>>, vector<1x512xf32>,
      %get3A_647 = arith.constant 1 : index
      %get3A_648 = arith.constant 0 : index
      %get3A_649 = arith.constant 0 : index
      %get3A_650 = vector.load %arg6[%get3A_647, %get3A_648, %get3A_649] : memref<8x512x64xf32, #tpu.memory_space<vmem>>, vector<1x512x64xf32>
      %get3A_651 = vector.shape_cast %get3A_650 : vector<1x512x64xf32> to vector<512x64xf32>
      %transpose3A_652 = tpu.transpose %get3A_651, [1, 0] : vector<512x64xf32> -> vector<64x512xf32>
      %mul3A_653 = arith.mulf %transpose3A_652, %transpose3A_652 : vector<64x512xf32>
      %reduce_sum3A_654 = arith.constant dense<0.000000e+00> : vector<512xf32>
      %reduce_sum3A_655 = vector.multi_reduction <add>, %mul3A_653, %reduce_sum3A_654 [0] : vector<64x512xf32> to vector<512xf32>
      %broadcast_in_dim3A_656 = vector.shape_cast %reduce_sum3A_655 : vector<512xf32> to vector<1x512xf32>
      %mul3A_657 = arith.constant 2.500000e-01 : f32
      %mul3A_658 = vector.broadcast %mul3A_657 : f32 to vector<1x512xf32>
      %mul3A_659 = arith.mulf %mul3A_658, %broadcast_in_dim3A_656 : vector<1x512xf32>
      %swap3A_660 = arith.constant 9 : index
      %swap3A_661 = arith.constant 0 : index
      %swap3A_662 = vector.load %arg13[%swap3A_660, %swap3A_661] : memref<16x512xf32, #tpu.memory_space<vmem>>, vector<1x512xf32>
      tpu.vector_store %arg13[%swap3A_660, %swap3A_661], %mul3A_659 {strides = array<i32>} : memref<16x512xf32, #tpu.memory_space<vmem>>, vector<1x512xf32>,
      %get3A_663 = arith.constant 2 : index
      %get3A_664 = arith.constant 0 : index
      %get3A_665 = arith.constant 0 : index
      %get3A_666 = vector.load %arg6[%get3A_663, %get3A_664, %get3A_665] : memref<8x512x64xf32, #tpu.memory_space<vmem>>, vector<1x512x64xf32>
      %get3A_667 = vector.shape_cast %get3A_666 : vector<1x512x64xf32> to vector<512x64xf32>
      %transpose3A_668 = tpu.transpose %get3A_667, [1, 0] : vector<512x64xf32> -> vector<64x512xf32>
      %mul3A_669 = arith.mulf %transpose3A_668, %transpose3A_668 : vector<64x512xf32>
      %reduce_sum3A_670 = arith.constant dense<0.000000e+00> : vector<512xf32>
      %reduce_sum3A_671 = vector.multi_reduction <add>, %mul3A_669, %reduce_sum3A_670 [0] : vector<64x512xf32> to vector<512xf32>
      %broadcast_in_dim3A_672 = vector.shape_cast %reduce_sum3A_671 : vector<512xf32> to vector<1x512xf32>
      %mul3A_673 = arith.constant 2.500000e-01 : f32
      %mul3A_674 = vector.broadcast %mul3A_673 : f32 to vector<1x512xf32>
      %mul3A_675 = arith.mulf %mul3A_674, %broadcast_in_dim3A_672 : vector<1x512xf32>
      %swap3A_676 = arith.constant 10 : index
      %swap3A_677 = arith.constant 0 : index
      %swap3A_678 = vector.load %arg13[%swap3A_676, %swap3A_677] : memref<16x512xf32, #tpu.memory_space<vmem>>, vector<1x512xf32>
      tpu.vector_store %arg13[%swap3A_676, %swap3A_677], %mul3A_675 {strides = array<i32>} : memref<16x512xf32, #tpu.memory_space<vmem>>, vector<1x512xf32>,
      %get3A_679 = arith.constant 3 : index
      %get3A_680 = arith.constant 0 : index
      %get3A_681 = arith.constant 0 : index
      %get3A_682 = vector.load %arg6[%get3A_679, %get3A_680, %get3A_681] : memref<8x512x64xf32, #tpu.memory_space<vmem>>, vector<1x512x64xf32>
      %get3A_683 = vector.shape_cast %get3A_682 : vector<1x512x64xf32> to vector<512x64xf32>
      %transpose3A_684 = tpu.transpose %get3A_683, [1, 0] : vector<512x64xf32> -> vector<64x512xf32>
      %mul3A_685 = arith.mulf %transpose3A_684, %transpose3A_684 : vector<64x512xf32>
      %reduce_sum3A_686 = arith.constant dense<0.000000e+00> : vector<512xf32>
      %reduce_sum3A_687 = vector.multi_reduction <add>, %mul3A_685, %reduce_sum3A_686 [0] : vector<64x512xf32> to vector<512xf32>
      %broadcast_in_dim3A_688 = vector.shape_cast %reduce_sum3A_687 : vector<512xf32> to vector<1x512xf32>
      %mul3A_689 = arith.constant 2.500000e-01 : f32
      %mul3A_690 = vector.broadcast %mul3A_689 : f32 to vector<1x512xf32>
      %mul3A_691 = arith.mulf %mul3A_690, %broadcast_in_dim3A_688 : vector<1x512xf32>
      %swap3A_692 = arith.constant 11 : index
      %swap3A_693 = arith.constant 0 : index
      %swap3A_694 = vector.load %arg13[%swap3A_692, %swap3A_693] : memref<16x512xf32, #tpu.memory_space<vmem>>, vector<1x512xf32>
      tpu.vector_store %arg13[%swap3A_692, %swap3A_693], %mul3A_691 {strides = array<i32>} : memref<16x512xf32, #tpu.memory_space<vmem>>, vector<1x512xf32>,
      %get3A_695 = arith.constant 4 : index
      %get3A_696 = arith.constant 0 : index
      %get3A_697 = arith.constant 0 : index
      %get3A_698 = vector.load %arg6[%get3A_695, %get3A_696, %get3A_697] : memref<8x512x64xf32, #tpu.memory_space<vmem>>, vector<1x512x64xf32>
      %get3A_699 = vector.shape_cast %get3A_698 : vector<1x512x64xf32> to vector<512x64xf32>
      %transpose3A_700 = tpu.transpose %get3A_699, [1, 0] : vector<512x64xf32> -> vector<64x512xf32>
      %mul3A_701 = arith.mulf %transpose3A_700, %transpose3A_700 : vector<64x512xf32>
      %reduce_sum3A_702 = arith.constant dense<0.000000e+00> : vector<512xf32>
      %reduce_sum3A_703 = vector.multi_reduction <add>, %mul3A_701, %reduce_sum3A_702 [0] : vector<64x512xf32> to vector<512xf32>
      %broadcast_in_dim3A_704 = vector.shape_cast %reduce_sum3A_703 : vector<512xf32> to vector<1x512xf32>
      %mul3A_705 = arith.constant 2.500000e-01 : f32
      %mul3A_706 = vector.broadcast %mul3A_705 : f32 to vector<1x512xf32>
      %mul3A_707 = arith.mulf %mul3A_706, %broadcast_in_dim3A_704 : vector<1x512xf32>
      %swap3A_708 = arith.constant 12 : index
      %swap3A_709 = arith.constant 0 : index
      %swap3A_710 = vector.load %arg13[%swap3A_708, %swap3A_709] : memref<16x512xf32, #tpu.memory_space<vmem>>, vector<1x512xf32>
      tpu.vector_store %arg13[%swap3A_708, %swap3A_709], %mul3A_707 {strides = array<i32>} : memref<16x512xf32, #tpu.memory_space<vmem>>, vector<1x512xf32>,
      %get3A_711 = arith.constant 5 : index
      %get3A_712 = arith.constant 0 : index
      %get3A_713 = arith.constant 0 : index
      %get3A_714 = vector.load %arg6[%get3A_711, %get3A_712, %get3A_713] : memref<8x512x64xf32, #tpu.memory_space<vmem>>, vector<1x512x64xf32>
      %get3A_715 = vector.shape_cast %get3A_714 : vector<1x512x64xf32> to vector<512x64xf32>
      %transpose3A_716 = tpu.transpose %get3A_715, [1, 0] : vector<512x64xf32> -> vector<64x512xf32>
      %mul3A_717 = arith.mulf %transpose3A_716, %transpose3A_716 : vector<64x512xf32>
      %reduce_sum3A_718 = arith.constant dense<0.000000e+00> : vector<512xf32>
      %reduce_sum3A_719 = vector.multi_reduction <add>, %mul3A_717, %reduce_sum3A_718 [0] : vector<64x512xf32> to vector<512xf32>
      %broadcast_in_dim3A_720 = vector.shape_cast %reduce_sum3A_719 : vector<512xf32> to vector<1x512xf32>
      %mul3A_721 = arith.constant 2.500000e-01 : f32
      %mul3A_722 = vector.broadcast %mul3A_721 : f32 to vector<1x512xf32>
      %mul3A_723 = arith.mulf %mul3A_722, %broadcast_in_dim3A_720 : vector<1x512xf32>
      %swap3A_724 = arith.constant 13 : index
      %swap3A_725 = arith.constant 0 : index
      %swap3A_726 = vector.load %arg13[%swap3A_724, %swap3A_725] : memref<16x512xf32, #tpu.memory_space<vmem>>, vector<1x512xf32>
      tpu.vector_store %arg13[%swap3A_724, %swap3A_725], %mul3A_723 {strides = array<i32>} : memref<16x512xf32, #tpu.memory_space<vmem>>, vector<1x512xf32>,
      %get3A_727 = arith.constant 6 : index
      %get3A_728 = arith.constant 0 : index
      %get3A_729 = arith.constant 0 : index
      %get3A_730 = vector.load %arg6[%get3A_727, %get3A_728, %get3A_729] : memref<8x512x64xf32, #tpu.memory_space<vmem>>, vector<1x512x64xf32>
      %get3A_731 = vector.shape_cast %get3A_730 : vector<1x512x64xf32> to vector<512x64xf32>
      %transpose3A_732 = tpu.transpose %get3A_731, [1, 0] : vector<512x64xf32> -> vector<64x512xf32>
      %mul3A_733 = arith.mulf %transpose3A_732, %transpose3A_732 : vector<64x512xf32>
      %reduce_sum3A_734 = arith.constant dense<0.000000e+00> : vector<512xf32>
      %reduce_sum3A_735 = vector.multi_reduction <add>, %mul3A_733, %reduce_sum3A_734 [0] : vector<64x512xf32> to vector<512xf32>
      %broadcast_in_dim3A_736 = vector.shape_cast %reduce_sum3A_735 : vector<512xf32> to vector<1x512xf32>
      %mul3A_737 = arith.constant 2.500000e-01 : f32
      %mul3A_738 = vector.broadcast %mul3A_737 : f32 to vector<1x512xf32>
      %mul3A_739 = arith.mulf %mul3A_738, %broadcast_in_dim3A_736 : vector<1x512xf32>
      %swap3A_740 = arith.constant 14 : index
      %swap3A_741 = arith.constant 0 : index
      %swap3A_742 = vector.load %arg13[%swap3A_740, %swap3A_741] : memref<16x512xf32, #tpu.memory_space<vmem>>, vector<1x512xf32>
      tpu.vector_store %arg13[%swap3A_740, %swap3A_741], %mul3A_739 {strides = array<i32>} : memref<16x512xf32, #tpu.memory_space<vmem>>, vector<1x512xf32>,
      %get3A_743 = arith.constant 7 : index
      %get3A_744 = arith.constant 0 : index
      %get3A_745 = arith.constant 0 : index
      %get3A_746 = vector.load %arg6[%get3A_743, %get3A_744, %get3A_745] : memref<8x512x64xf32, #tpu.memory_space<vmem>>, vector<1x512x64xf32>
      %get3A_747 = vector.shape_cast %get3A_746 : vector<1x512x64xf32> to vector<512x64xf32>
      %transpose3A_748 = tpu.transpose %get3A_747, [1, 0] : vector<512x64xf32> -> vector<64x512xf32>
      %mul3A_749 = arith.mulf %transpose3A_748, %transpose3A_748 : vector<64x512xf32>
      %reduce_sum3A_750 = arith.constant dense<0.000000e+00> : vector<512xf32>
      %reduce_sum3A_751 = vector.multi_reduction <add>, %mul3A_749, %reduce_sum3A_750 [0] : vector<64x512xf32> to vector<512xf32>
      %broadcast_in_dim3A_752 = vector.shape_cast %reduce_sum3A_751 : vector<512xf32> to vector<1x512xf32>
      %mul3A_753 = arith.constant 2.500000e-01 : f32
      %mul3A_754 = vector.broadcast %mul3A_753 : f32 to vector<1x512xf32>
      %mul3A_755 = arith.mulf %mul3A_754, %broadcast_in_dim3A_752 : vector<1x512xf32>
      %swap3A_756 = arith.constant 15 : index
      %swap3A_757 = arith.constant 0 : index
      %swap3A_758 = vector.load %arg13[%swap3A_756, %swap3A_757] : memref<16x512xf32, #tpu.memory_space<vmem>>, vector<1x512xf32>
      tpu.vector_store %arg13[%swap3A_756, %swap3A_757], %mul3A_755 {strides = array<i32>} : memref<16x512xf32, #tpu.memory_space<vmem>>, vector<1x512xf32>,
    } else {
    }
    %get3A_6 = arith.constant 0 : index
    %get3A_7 = arith.constant 0 : index
    %get3A_8 = vector.load %arg2[%get3A_6, %get3A_7] : memref<256x2048xf32, #tpu.memory_space<vmem>>, vector<256x2048xf32>
    %get3A_9 = arith.constant 0 : index
    %get3A_10 = arith.constant 0 : index
    %get3A_11 = vector.load %arg3[%get3A_9, %get3A_10] : memref<512x2048xf32, #tpu.memory_space<vmem>>, vector<512x2048xf32>
    %dot_general3A = arith.constant dense<0.000000e+00> : vector<256x512xf32>
    %dot_general3A_12 = tpu.matmul %get3A_8, %get3A_11, %dot_general3A {dimension_numbers = #tpu.dot_dimension_numbers<[1], [1], [0], [0], [0, 0, 1, 0], [], []>, transpose_lhs_hint = false} : vector<256x2048xf32>, vector<512x2048xf32>, vector<256x512xf32> -> vector<256x512xf32>
    %slice3A = vector.extract_strided_slice %dot_general3A_12 {offsets = [0, 0], sizes = [256, 64], strides = [1, 1]} : vector<256x512xf32> to vector<256x64xf32>
    %get3A_13 = arith.constant 0 : index
    %get3A_14 = arith.constant 0 : index
    %get3A_15 = arith.constant 0 : index
    %get3A_16 = vector.load %arg5[%get3A_13, %get3A_14, %get3A_15] : memref<8x512x64xf32, #tpu.memory_space<vmem>>, vector<1x512x64xf32>
    %get3A_17 = vector.shape_cast %get3A_16 : vector<1x512x64xf32> to vector<512x64xf32>
    %dot_general3A_18 = arith.constant dense<0.000000e+00> : vector<256x512xf32>
    %dot_general3A_19 = tpu.matmul %slice3A, %get3A_17, %dot_general3A_18 {dimension_numbers = #tpu.dot_dimension_numbers<[1], [1], [0], [0], [0, 0, 1, 0], [], []>, transpose_lhs_hint = false} : vector<256x64xf32>, vector<512x64xf32>, vector<256x512xf32> -> vector<256x512xf32>
    %mul3A = arith.mulf %slice3A, %slice3A : vector<256x64xf32>
    %reduce_sum3A = arith.constant dense<0.000000e+00> : vector<256xf32>
    %reduce_sum3A_20 = vector.multi_reduction <add>, %mul3A, %reduce_sum3A [1] : vector<256x64xf32> to vector<256xf32>
    %broadcast_in_dim3A = vector.shape_cast %reduce_sum3A_20 : vector<256xf32> to vector<256x1xf32>
    %get3A_21 = arith.constant 0 : index
    %get3A_22 = arith.constant 0 : index
    %get3A_23 = vector.load %arg13[%get3A_21, %get3A_22] : memref<16x512xf32, #tpu.memory_space<vmem>>, vector<1x512xf32>
    %sub3A = vector.broadcast %broadcast_in_dim3A : vector<256x1xf32> to vector<256x512xf32>
    %sub3A_24 = arith.subf %dot_general3A_19, %sub3A : vector<256x512xf32>
    %sub3A_25 = vector.broadcast %get3A_23 : vector<1x512xf32> to vector<256x512xf32>
    %sub3A_26 = arith.subf %sub3A_24, %sub3A_25 : vector<256x512xf32>
    %mul3A_27 = vector.broadcast %select_n3A : f32 to vector<256x512xf32>
    %mul3A_28 = arith.mulf %sub3A_26, %mul3A_27 : vector<256x512xf32>
    %swap3A = arith.constant 0 : index
    %swap3A_29 = arith.constant 0 : index
    %swap3A_30 = vector.load %arg11[%swap3A, %swap3A_29] : memref<256x4096xf32, #tpu.memory_space<vmem>>, vector<256x512xf32>
    tpu.vector_store %arg11[%swap3A, %swap3A_29], %mul3A_28 {strides = array<i32>} : memref<256x4096xf32, #tpu.memory_space<vmem>>, vector<256x512xf32>,
    %reduce_max3A = arith.constant dense<0xFF800000> : vector<256xf32>
    %reduce_max3A_31 = vector.multi_reduction <maximumf>, %sub3A_26, %reduce_max3A [1] : vector<256x512xf32> to vector<256xf32>
    %broadcast_in_dim3A_32 = vector.shape_cast %reduce_max3A_31 : vector<256xf32> to vector<256x1xf32>
    %iota3A = tpu.iota {dimensions = array<i32: 1>} : vector<256x512xi32>
    %eq3A_33 = vector.broadcast %broadcast_in_dim3A_32 : vector<256x1xf32> to vector<256x512xf32>
    %eq3A_34 = arith.cmpf oeq, %sub3A_26, %eq3A_33 : vector<256x512xf32>
    %jit3A_35 = arith.constant 512 : i32
    %broadcast_in_dim3A_36 = vector.broadcast %jit3A_35 : i32 to vector<256x512xi32>
    %select_n3A_37 = arith.select %eq3A_34, %iota3A, %broadcast_in_dim3A_36 : vector<256x512xi1>, vector<256x512xi32>
    %reduce_min3A = arith.constant dense<2147483647> : vector<256xi32>
    %reduce_min3A_38 = vector.multi_reduction <minsi>, %select_n3A_37, %reduce_min3A [1] : vector<256x512xi32> to vector<256xi32>
    %broadcast_in_dim3A_39 = vector.shape_cast %reduce_min3A_38 : vector<256xi32> to vector<256x1xi32>
    %slice3A_40 = vector.extract_strided_slice %dot_general3A_12 {offsets = [0, 64], sizes = [256, 64], strides = [1, 1]} : vector<256x512xf32> to vector<256x64xf32>
    %get3A_41 = arith.constant 1 : index
    %get3A_42 = arith.constant 0 : index
    %get3A_43 = arith.constant 0 : index
    %get3A_44 = vector.load %arg5[%get3A_41, %get3A_42, %get3A_43] : memref<8x512x64xf32, #tpu.memory_space<vmem>>, vector<1x512x64xf32>
    %get3A_45 = vector.shape_cast %get3A_44 : vector<1x512x64xf32> to vector<512x64xf32>
    %dot_general3A_46 = arith.constant dense<0.000000e+00> : vector<256x512xf32>
    %dot_general3A_47 = tpu.matmul %slice3A_40, %get3A_45, %dot_general3A_46 {dimension_numbers = #tpu.dot_dimension_numbers<[1], [1], [0], [0], [0, 0, 1, 0], [], []>, transpose_lhs_hint = false} : vector<256x64xf32>, vector<512x64xf32>, vector<256x512xf32> -> vector<256x512xf32>
    %mul3A_48 = arith.mulf %slice3A_40, %slice3A_40 : vector<256x64xf32>
    %reduce_sum3A_49 = arith.constant dense<0.000000e+00> : vector<256xf32>
    %reduce_sum3A_50 = vector.multi_reduction <add>, %mul3A_48, %reduce_sum3A_49 [1] : vector<256x64xf32> to vector<256xf32>
    %broadcast_in_dim3A_51 = vector.shape_cast %reduce_sum3A_50 : vector<256xf32> to vector<256x1xf32>
    %get3A_52 = arith.constant 1 : index
    %get3A_53 = arith.constant 0 : index
    %get3A_54 = vector.load %arg13[%get3A_52, %get3A_53] : memref<16x512xf32, #tpu.memory_space<vmem>>, vector<1x512xf32>
    %sub3A_55 = vector.broadcast %broadcast_in_dim3A_51 : vector<256x1xf32> to vector<256x512xf32>
    %sub3A_56 = arith.subf %dot_general3A_47, %sub3A_55 : vector<256x512xf32>
    %sub3A_57 = vector.broadcast %get3A_54 : vector<1x512xf32> to vector<256x512xf32>
    %sub3A_58 = arith.subf %sub3A_56, %sub3A_57 : vector<256x512xf32>
    %mul3A_59 = vector.broadcast %select_n3A : f32 to vector<256x512xf32>
    %mul3A_60 = arith.mulf %sub3A_58, %mul3A_59 : vector<256x512xf32>
    %swap3A_61 = arith.constant 0 : index
    %swap3A_62 = arith.constant 512 : index
    %swap3A_63 = vector.load %arg11[%swap3A_61, %swap3A_62] : memref<256x4096xf32, #tpu.memory_space<vmem>>, vector<256x512xf32>
    tpu.vector_store %arg11[%swap3A_61, %swap3A_62], %mul3A_60 {strides = array<i32>} : memref<256x4096xf32, #tpu.memory_space<vmem>>, vector<256x512xf32>,
    %reduce_max3A_64 = arith.constant dense<0xFF800000> : vector<256xf32>
    %reduce_max3A_65 = vector.multi_reduction <maximumf>, %sub3A_58, %reduce_max3A_64 [1] : vector<256x512xf32> to vector<256xf32>
    %broadcast_in_dim3A_66 = vector.shape_cast %reduce_max3A_65 : vector<256xf32> to vector<256x1xf32>
    %iota3A_67 = tpu.iota {dimensions = array<i32: 1>} : vector<256x512xi32>
    %eq3A_68 = vector.broadcast %broadcast_in_dim3A_66 : vector<256x1xf32> to vector<256x512xf32>
    %eq3A_69 = arith.cmpf oeq, %sub3A_58, %eq3A_68 : vector<256x512xf32>
    %jit3A_70 = arith.constant 512 : i32
    %broadcast_in_dim3A_71 = vector.broadcast %jit3A_70 : i32 to vector<256x512xi32>
    %select_n3A_72 = arith.select %eq3A_69, %iota3A_67, %broadcast_in_dim3A_71 : vector<256x512xi1>, vector<256x512xi32>
    %reduce_min3A_73 = arith.constant dense<2147483647> : vector<256xi32>
    %reduce_min3A_74 = vector.multi_reduction <minsi>, %select_n3A_72, %reduce_min3A_73 [1] : vector<256x512xi32> to vector<256xi32>
    %broadcast_in_dim3A_75 = vector.shape_cast %reduce_min3A_74 : vector<256xi32> to vector<256x1xi32>
    %slice3A_76 = vector.extract_strided_slice %dot_general3A_12 {offsets = [0, 128], sizes = [256, 64], strides = [1, 1]} : vector<256x512xf32> to vector<256x64xf32>
    %get3A_77 = arith.constant 2 : index
    %get3A_78 = arith.constant 0 : index
    %get3A_79 = arith.constant 0 : index
    %get3A_80 = vector.load %arg5[%get3A_77, %get3A_78, %get3A_79] : memref<8x512x64xf32, #tpu.memory_space<vmem>>, vector<1x512x64xf32>
    %get3A_81 = vector.shape_cast %get3A_80 : vector<1x512x64xf32> to vector<512x64xf32>
    %dot_general3A_82 = arith.constant dense<0.000000e+00> : vector<256x512xf32>
    %dot_general3A_83 = tpu.matmul %slice3A_76, %get3A_81, %dot_general3A_82 {dimension_numbers = #tpu.dot_dimension_numbers<[1], [1], [0], [0], [0, 0, 1, 0], [], []>, transpose_lhs_hint = false} : vector<256x64xf32>, vector<512x64xf32>, vector<256x512xf32> -> vector<256x512xf32>
    %mul3A_84 = arith.mulf %slice3A_76, %slice3A_76 : vector<256x64xf32>
    %reduce_sum3A_85 = arith.constant dense<0.000000e+00> : vector<256xf32>
    %reduce_sum3A_86 = vector.multi_reduction <add>, %mul3A_84, %reduce_sum3A_85 [1] : vector<256x64xf32> to vector<256xf32>
    %broadcast_in_dim3A_87 = vector.shape_cast %reduce_sum3A_86 : vector<256xf32> to vector<256x1xf32>
    %get3A_88 = arith.constant 2 : index
    %get3A_89 = arith.constant 0 : index
    %get3A_90 = vector.load %arg13[%get3A_88, %get3A_89] : memref<16x512xf32, #tpu.memory_space<vmem>>, vector<1x512xf32>
    %sub3A_91 = vector.broadcast %broadcast_in_dim3A_87 : vector<256x1xf32> to vector<256x512xf32>
    %sub3A_92 = arith.subf %dot_general3A_83, %sub3A_91 : vector<256x512xf32>
    %sub3A_93 = vector.broadcast %get3A_90 : vector<1x512xf32> to vector<256x512xf32>
    %sub3A_94 = arith.subf %sub3A_92, %sub3A_93 : vector<256x512xf32>
    %mul3A_95 = vector.broadcast %select_n3A : f32 to vector<256x512xf32>
    %mul3A_96 = arith.mulf %sub3A_94, %mul3A_95 : vector<256x512xf32>
    %swap3A_97 = arith.constant 0 : index
    %swap3A_98 = arith.constant 1024 : index
    %swap3A_99 = vector.load %arg11[%swap3A_97, %swap3A_98] : memref<256x4096xf32, #tpu.memory_space<vmem>>, vector<256x512xf32>
    tpu.vector_store %arg11[%swap3A_97, %swap3A_98], %mul3A_96 {strides = array<i32>} : memref<256x4096xf32, #tpu.memory_space<vmem>>, vector<256x512xf32>,
    %slice3A_100 = vector.extract_strided_slice %dot_general3A_12 {offsets = [0, 192], sizes = [256, 64], strides = [1, 1]} : vector<256x512xf32> to vector<256x64xf32>
    %get3A_101 = arith.constant 3 : index
    %get3A_102 = arith.constant 0 : index
    %get3A_103 = arith.constant 0 : index
    %get3A_104 = vector.load %arg5[%get3A_101, %get3A_102, %get3A_103] : memref<8x512x64xf32, #tpu.memory_space<vmem>>, vector<1x512x64xf32>
    %get3A_105 = vector.shape_cast %get3A_104 : vector<1x512x64xf32> to vector<512x64xf32>
    %dot_general3A_106 = arith.constant dense<0.000000e+00> : vector<256x512xf32>
    %dot_general3A_107 = tpu.matmul %slice3A_100, %get3A_105, %dot_general3A_106 {dimension_numbers = #tpu.dot_dimension_numbers<[1], [1], [0], [0], [0, 0, 1, 0], [], []>, transpose_lhs_hint = false} : vector<256x64xf32>, vector<512x64xf32>, vector<256x512xf32> -> vector<256x512xf32>
    %mul3A_108 = arith.mulf %slice3A_100, %slice3A_100 : vector<256x64xf32>
    %reduce_sum3A_109 = arith.constant dense<0.000000e+00> : vector<256xf32>
    %reduce_sum3A_110 = vector.multi_reduction <add>, %mul3A_108, %reduce_sum3A_109 [1] : vector<256x64xf32> to vector<256xf32>
    %broadcast_in_dim3A_111 = vector.shape_cast %reduce_sum3A_110 : vector<256xf32> to vector<256x1xf32>
    %get3A_112 = arith.constant 3 : index
    %get3A_113 = arith.constant 0 : index
    %get3A_114 = vector.load %arg13[%get3A_112, %get3A_113] : memref<16x512xf32, #tpu.memory_space<vmem>>, vector<1x512xf32>
    %sub3A_115 = vector.broadcast %broadcast_in_dim3A_111 : vector<256x1xf32> to vector<256x512xf32>
    %sub3A_116 = arith.subf %dot_general3A_107, %sub3A_115 : vector<256x512xf32>
    %sub3A_117 = vector.broadcast %get3A_114 : vector<1x512xf32> to vector<256x512xf32>
    %sub3A_118 = arith.subf %sub3A_116, %sub3A_117 : vector<256x512xf32>
    %mul3A_119 = vector.broadcast %select_n3A : f32 to vector<256x512xf32>
    %mul3A_120 = arith.mulf %sub3A_118, %mul3A_119 : vector<256x512xf32>
    %swap3A_121 = arith.constant 0 : index
    %swap3A_122 = arith.constant 1536 : index
    %swap3A_123 = vector.load %arg11[%swap3A_121, %swap3A_122] : memref<256x4096xf32, #tpu.memory_space<vmem>>, vector<256x512xf32>
    tpu.vector_store %arg11[%swap3A_121, %swap3A_122], %mul3A_120 {strides = array<i32>} : memref<256x4096xf32, #tpu.memory_space<vmem>>, vector<256x512xf32>,
    %slice3A_124 = vector.extract_strided_slice %dot_general3A_12 {offsets = [0, 256], sizes = [256, 64], strides = [1, 1]} : vector<256x512xf32> to vector<256x64xf32>
    %get3A_125 = arith.constant 4 : index
    %get3A_126 = arith.constant 0 : index
    %get3A_127 = arith.constant 0 : index
    %get3A_128 = vector.load %arg5[%get3A_125, %get3A_126, %get3A_127] : memref<8x512x64xf32, #tpu.memory_space<vmem>>, vector<1x512x64xf32>
    %get3A_129 = vector.shape_cast %get3A_128 : vector<1x512x64xf32> to vector<512x64xf32>
    %dot_general3A_130 = arith.constant dense<0.000000e+00> : vector<256x512xf32>
    %dot_general3A_131 = tpu.matmul %slice3A_124, %get3A_129, %dot_general3A_130 {dimension_numbers = #tpu.dot_dimension_numbers<[1], [1], [0], [0], [0, 0, 1, 0], [], []>, transpose_lhs_hint = false} : vector<256x64xf32>, vector<512x64xf32>, vector<256x512xf32> -> vector<256x512xf32>
    %mul3A_132 = arith.mulf %slice3A_124, %slice3A_124 : vector<256x64xf32>
    %reduce_sum3A_133 = arith.constant dense<0.000000e+00> : vector<256xf32>
    %reduce_sum3A_134 = vector.multi_reduction <add>, %mul3A_132, %reduce_sum3A_133 [1] : vector<256x64xf32> to vector<256xf32>
    %broadcast_in_dim3A_135 = vector.shape_cast %reduce_sum3A_134 : vector<256xf32> to vector<256x1xf32>
    %get3A_136 = arith.constant 4 : index
    %get3A_137 = arith.constant 0 : index
    %get3A_138 = vector.load %arg13[%get3A_136, %get3A_137] : memref<16x512xf32, #tpu.memory_space<vmem>>, vector<1x512xf32>
    %sub3A_139 = vector.broadcast %broadcast_in_dim3A_135 : vector<256x1xf32> to vector<256x512xf32>
    %sub3A_140 = arith.subf %dot_general3A_131, %sub3A_139 : vector<256x512xf32>
    %sub3A_141 = vector.broadcast %get3A_138 : vector<1x512xf32> to vector<256x512xf32>
    %sub3A_142 = arith.subf %sub3A_140, %sub3A_141 : vector<256x512xf32>
    %mul3A_143 = vector.broadcast %select_n3A : f32 to vector<256x512xf32>
    %mul3A_144 = arith.mulf %sub3A_142, %mul3A_143 : vector<256x512xf32>
    %swap3A_145 = arith.constant 0 : index
    %swap3A_146 = arith.constant 2048 : index
    %swap3A_147 = vector.load %arg11[%swap3A_145, %swap3A_146] : memref<256x4096xf32, #tpu.memory_space<vmem>>, vector<256x512xf32>
    tpu.vector_store %arg11[%swap3A_145, %swap3A_146], %mul3A_144 {strides = array<i32>} : memref<256x4096xf32, #tpu.memory_space<vmem>>, vector<256x512xf32>,
    %reduce_max3A_148 = arith.constant dense<0xFF800000> : vector<256xf32>
    %reduce_max3A_149 = vector.multi_reduction <maximumf>, %sub3A_142, %reduce_max3A_148 [1] : vector<256x512xf32> to vector<256xf32>
    %broadcast_in_dim3A_150 = vector.shape_cast %reduce_max3A_149 : vector<256xf32> to vector<256x1xf32>
    %iota3A_151 = tpu.iota {dimensions = array<i32: 1>} : vector<256x512xi32>
    %eq3A_152 = vector.broadcast %broadcast_in_dim3A_150 : vector<256x1xf32> to vector<256x512xf32>
    %eq3A_153 = arith.cmpf oeq, %sub3A_142, %eq3A_152 : vector<256x512xf32>
    %jit3A_154 = arith.constant 512 : i32
    %broadcast_in_dim3A_155 = vector.broadcast %jit3A_154 : i32 to vector<256x512xi32>
    %select_n3A_156 = arith.select %eq3A_153, %iota3A_151, %broadcast_in_dim3A_155 : vector<256x512xi1>, vector<256x512xi32>
    %reduce_min3A_157 = arith.constant dense<2147483647> : vector<256xi32>
    %reduce_min3A_158 = vector.multi_reduction <minsi>, %select_n3A_156, %reduce_min3A_157 [1] : vector<256x512xi32> to vector<256xi32>
    %broadcast_in_dim3A_159 = vector.shape_cast %reduce_min3A_158 : vector<256xi32> to vector<256x1xi32>
    %slice3A_160 = vector.extract_strided_slice %dot_general3A_12 {offsets = [0, 320], sizes = [256, 64], strides = [1, 1]} : vector<256x512xf32> to vector<256x64xf32>
    %get3A_161 = arith.constant 5 : index
    %get3A_162 = arith.constant 0 : index
    %get3A_163 = arith.constant 0 : index
    %get3A_164 = vector.load %arg5[%get3A_161, %get3A_162, %get3A_163] : memref<8x512x64xf32, #tpu.memory_space<vmem>>, vector<1x512x64xf32>
    %get3A_165 = vector.shape_cast %get3A_164 : vector<1x512x64xf32> to vector<512x64xf32>
    %dot_general3A_166 = arith.constant dense<0.000000e+00> : vector<256x512xf32>
    %dot_general3A_167 = tpu.matmul %slice3A_160, %get3A_165, %dot_general3A_166 {dimension_numbers = #tpu.dot_dimension_numbers<[1], [1], [0], [0], [0, 0, 1, 0], [], []>, transpose_lhs_hint = false} : vector<256x64xf32>, vector<512x64xf32>, vector<256x512xf32> -> vector<256x512xf32>
    %mul3A_168 = arith.mulf %slice3A_160, %slice3A_160 : vector<256x64xf32>
    %reduce_sum3A_169 = arith.constant dense<0.000000e+00> : vector<256xf32>
    %reduce_sum3A_170 = vector.multi_reduction <add>, %mul3A_168, %reduce_sum3A_169 [1] : vector<256x64xf32> to vector<256xf32>
    %broadcast_in_dim3A_171 = vector.shape_cast %reduce_sum3A_170 : vector<256xf32> to vector<256x1xf32>
    %get3A_172 = arith.constant 5 : index
    %get3A_173 = arith.constant 0 : index
    %get3A_174 = vector.load %arg13[%get3A_172, %get3A_173] : memref<16x512xf32, #tpu.memory_space<vmem>>, vector<1x512xf32>
    %sub3A_175 = vector.broadcast %broadcast_in_dim3A_171 : vector<256x1xf32> to vector<256x512xf32>
    %sub3A_176 = arith.subf %dot_general3A_167, %sub3A_175 : vector<256x512xf32>
    %sub3A_177 = vector.broadcast %get3A_174 : vector<1x512xf32> to vector<256x512xf32>
    %sub3A_178 = arith.subf %sub3A_176, %sub3A_177 : vector<256x512xf32>
    %mul3A_179 = vector.broadcast %select_n3A : f32 to vector<256x512xf32>
    %mul3A_180 = arith.mulf %sub3A_178, %mul3A_179 : vector<256x512xf32>
    %swap3A_181 = arith.constant 0 : index
    %swap3A_182 = arith.constant 2560 : index
    %swap3A_183 = vector.load %arg11[%swap3A_181, %swap3A_182] : memref<256x4096xf32, #tpu.memory_space<vmem>>, vector<256x512xf32>
    tpu.vector_store %arg11[%swap3A_181, %swap3A_182], %mul3A_180 {strides = array<i32>} : memref<256x4096xf32, #tpu.memory_space<vmem>>, vector<256x512xf32>,
    %reduce_max3A_184 = arith.constant dense<0xFF800000> : vector<256xf32>
    %reduce_max3A_185 = vector.multi_reduction <maximumf>, %sub3A_178, %reduce_max3A_184 [1] : vector<256x512xf32> to vector<256xf32>
    %broadcast_in_dim3A_186 = vector.shape_cast %reduce_max3A_185 : vector<256xf32> to vector<256x1xf32>
    %iota3A_187 = tpu.iota {dimensions = array<i32: 1>} : vector<256x512xi32>
    %eq3A_188 = vector.broadcast %broadcast_in_dim3A_186 : vector<256x1xf32> to vector<256x512xf32>
    %eq3A_189 = arith.cmpf oeq, %sub3A_178, %eq3A_188 : vector<256x512xf32>
    %jit3A_190 = arith.constant 512 : i32
    %broadcast_in_dim3A_191 = vector.broadcast %jit3A_190 : i32 to vector<256x512xi32>
    %select_n3A_192 = arith.select %eq3A_189, %iota3A_187, %broadcast_in_dim3A_191 : vector<256x512xi1>, vector<256x512xi32>
    %reduce_min3A_193 = arith.constant dense<2147483647> : vector<256xi32>
    %reduce_min3A_194 = vector.multi_reduction <minsi>, %select_n3A_192, %reduce_min3A_193 [1] : vector<256x512xi32> to vector<256xi32>
    %broadcast_in_dim3A_195 = vector.shape_cast %reduce_min3A_194 : vector<256xi32> to vector<256x1xi32>
    %slice3A_196 = vector.extract_strided_slice %dot_general3A_12 {offsets = [0, 384], sizes = [256, 64], strides = [1, 1]} : vector<256x512xf32> to vector<256x64xf32>
    %get3A_197 = arith.constant 6 : index
    %get3A_198 = arith.constant 0 : index
    %get3A_199 = arith.constant 0 : index
    %get3A_200 = vector.load %arg5[%get3A_197, %get3A_198, %get3A_199] : memref<8x512x64xf32, #tpu.memory_space<vmem>>, vector<1x512x64xf32>
    %get3A_201 = vector.shape_cast %get3A_200 : vector<1x512x64xf32> to vector<512x64xf32>
    %dot_general3A_202 = arith.constant dense<0.000000e+00> : vector<256x512xf32>
    %dot_general3A_203 = tpu.matmul %slice3A_196, %get3A_201, %dot_general3A_202 {dimension_numbers = #tpu.dot_dimension_numbers<[1], [1], [0], [0], [0, 0, 1, 0], [], []>, transpose_lhs_hint = false} : vector<256x64xf32>, vector<512x64xf32>, vector<256x512xf32> -> vector<256x512xf32>
    %mul3A_204 = arith.mulf %slice3A_196, %slice3A_196 : vector<256x64xf32>
    %reduce_sum3A_205 = arith.constant dense<0.000000e+00> : vector<256xf32>
    %reduce_sum3A_206 = vector.multi_reduction <add>, %mul3A_204, %reduce_sum3A_205 [1] : vector<256x64xf32> to vector<256xf32>
    %broadcast_in_dim3A_207 = vector.shape_cast %reduce_sum3A_206 : vector<256xf32> to vector<256x1xf32>
    %get3A_208 = arith.constant 6 : index
    %get3A_209 = arith.constant 0 : index
    %get3A_210 = vector.load %arg13[%get3A_208, %get3A_209] : memref<16x512xf32, #tpu.memory_space<vmem>>, vector<1x512xf32>
    %sub3A_211 = vector.broadcast %broadcast_in_dim3A_207 : vector<256x1xf32> to vector<256x512xf32>
    %sub3A_212 = arith.subf %dot_general3A_203, %sub3A_211 : vector<256x512xf32>
    %sub3A_213 = vector.broadcast %get3A_210 : vector<1x512xf32> to vector<256x512xf32>
    %sub3A_214 = arith.subf %sub3A_212, %sub3A_213 : vector<256x512xf32>
    %mul3A_215 = vector.broadcast %select_n3A : f32 to vector<256x512xf32>
    %mul3A_216 = arith.mulf %sub3A_214, %mul3A_215 : vector<256x512xf32>
    %swap3A_217 = arith.constant 0 : index
    %swap3A_218 = arith.constant 3072 : index
    %swap3A_219 = vector.load %arg11[%swap3A_217, %swap3A_218] : memref<256x4096xf32, #tpu.memory_space<vmem>>, vector<256x512xf32>
    tpu.vector_store %arg11[%swap3A_217, %swap3A_218], %mul3A_216 {strides = array<i32>} : memref<256x4096xf32, #tpu.memory_space<vmem>>, vector<256x512xf32>,
    %slice3A_220 = vector.extract_strided_slice %dot_general3A_12 {offsets = [0, 448], sizes = [256, 64], strides = [1, 1]} : vector<256x512xf32> to vector<256x64xf32>
    %get3A_221 = arith.constant 7 : index
    %get3A_222 = arith.constant 0 : index
    %get3A_223 = arith.constant 0 : index
    %get3A_224 = vector.load %arg5[%get3A_221, %get3A_222, %get3A_223] : memref<8x512x64xf32, #tpu.memory_space<vmem>>, vector<1x512x64xf32>
    %get3A_225 = vector.shape_cast %get3A_224 : vector<1x512x64xf32> to vector<512x64xf32>
    %dot_general3A_226 = arith.constant dense<0.000000e+00> : vector<256x512xf32>
    %dot_general3A_227 = tpu.matmul %slice3A_220, %get3A_225, %dot_general3A_226 {dimension_numbers = #tpu.dot_dimension_numbers<[1], [1], [0], [0], [0, 0, 1, 0], [], []>, transpose_lhs_hint = false} : vector<256x64xf32>, vector<512x64xf32>, vector<256x512xf32> -> vector<256x512xf32>
    %mul3A_228 = arith.mulf %slice3A_220, %slice3A_220 : vector<256x64xf32>
    %reduce_sum3A_229 = arith.constant dense<0.000000e+00> : vector<256xf32>
    %reduce_sum3A_230 = vector.multi_reduction <add>, %mul3A_228, %reduce_sum3A_229 [1] : vector<256x64xf32> to vector<256xf32>
    %broadcast_in_dim3A_231 = vector.shape_cast %reduce_sum3A_230 : vector<256xf32> to vector<256x1xf32>
    %get3A_232 = arith.constant 7 : index
    %get3A_233 = arith.constant 0 : index
    %get3A_234 = vector.load %arg13[%get3A_232, %get3A_233] : memref<16x512xf32, #tpu.memory_space<vmem>>, vector<1x512xf32>
    %sub3A_235 = vector.broadcast %broadcast_in_dim3A_231 : vector<256x1xf32> to vector<256x512xf32>
    %sub3A_236 = arith.subf %dot_general3A_227, %sub3A_235 : vector<256x512xf32>
    %sub3A_237 = vector.broadcast %get3A_234 : vector<1x512xf32> to vector<256x512xf32>
    %sub3A_238 = arith.subf %sub3A_236, %sub3A_237 : vector<256x512xf32>
    %mul3A_239 = vector.broadcast %select_n3A : f32 to vector<256x512xf32>
    %mul3A_240 = arith.mulf %sub3A_238, %mul3A_239 : vector<256x512xf32>
    %swap3A_241 = arith.constant 0 : index
    %swap3A_242 = arith.constant 3584 : index
    %swap3A_243 = vector.load %arg11[%swap3A_241, %swap3A_242] : memref<256x4096xf32, #tpu.memory_space<vmem>>, vector<256x512xf32>
    tpu.vector_store %arg11[%swap3A_241, %swap3A_242], %mul3A_240 {strides = array<i32>} : memref<256x4096xf32, #tpu.memory_space<vmem>>, vector<256x512xf32>,
    %concatenate3A = tpu.concatenate %broadcast_in_dim3A_39, %broadcast_in_dim3A_159 in 1 : vector<256x1xi32>, vector<256x1xi32> -> vector<256x2xi32>
    %swap3A_244 = arith.constant 0 : index
    %swap3A_245 = arith.constant 0 : index
    %swap3A_246 = vector.load %arg7[%swap3A_244, %swap3A_245] : memref<256x2xi32, #tpu.memory_space<vmem>>, vector<256x2xi32>
    tpu.vector_store %arg7[%swap3A_244, %swap3A_245], %concatenate3A {strides = array<i32>} : memref<256x2xi32, #tpu.memory_space<vmem>>, vector<256x2xi32>,
    %concatenate3A_247 = tpu.concatenate %broadcast_in_dim3A_75, %broadcast_in_dim3A_195 in 1 : vector<256x1xi32>, vector<256x1xi32> -> vector<256x2xi32>
    %swap3A_248 = arith.constant 0 : index
    %swap3A_249 = arith.constant 0 : index
    %swap3A_250 = vector.load %arg8[%swap3A_248, %swap3A_249] : memref<256x2xi32, #tpu.memory_space<vmem>>, vector<256x2xi32>
    tpu.vector_store %arg8[%swap3A_248, %swap3A_249], %concatenate3A_247 {strides = array<i32>} : memref<256x2xi32, #tpu.memory_space<vmem>>, vector<256x2xi32>,
    %get3A_251 = arith.constant 0 : index
    %get3A_252 = arith.constant 0 : index
    %get3A_253 = vector.load %arg4[%get3A_251, %get3A_252] : memref<512x2048xf32, #tpu.memory_space<vmem>>, vector<512x2048xf32>
    %dot_general3A_254 = arith.constant dense<0.000000e+00> : vector<256x512xf32>
    %dot_general3A_255 = tpu.matmul %get3A_8, %get3A_253, %dot_general3A_254 {dimension_numbers = #tpu.dot_dimension_numbers<[1], [1], [0], [0], [0, 0, 1, 0], [], []>, transpose_lhs_hint = false} : vector<256x2048xf32>, vector<512x2048xf32>, vector<256x512xf32> -> vector<256x512xf32>
    %slice3A_256 = vector.extract_strided_slice %dot_general3A_255 {offsets = [0, 0], sizes = [256, 64], strides = [1, 1]} : vector<256x512xf32> to vector<256x64xf32>
    %get3A_257 = arith.constant 0 : index
    %get3A_258 = arith.constant 0 : index
    %get3A_259 = arith.constant 0 : index
    %get3A_260 = vector.load %arg6[%get3A_257, %get3A_258, %get3A_259] : memref<8x512x64xf32, #tpu.memory_space<vmem>>, vector<1x512x64xf32>
    %get3A_261 = vector.shape_cast %get3A_260 : vector<1x512x64xf32> to vector<512x64xf32>
    %dot_general3A_262 = arith.constant dense<0.000000e+00> : vector<256x512xf32>
    %dot_general3A_263 = tpu.matmul %slice3A_256, %get3A_261, %dot_general3A_262 {dimension_numbers = #tpu.dot_dimension_numbers<[1], [1], [0], [0], [0, 0, 1, 0], [], []>, transpose_lhs_hint = false} : vector<256x64xf32>, vector<512x64xf32>, vector<256x512xf32> -> vector<256x512xf32>
    %mul3A_264 = arith.mulf %slice3A_256, %slice3A_256 : vector<256x64xf32>
    %reduce_sum3A_265 = arith.constant dense<0.000000e+00> : vector<256xf32>
    %reduce_sum3A_266 = vector.multi_reduction <add>, %mul3A_264, %reduce_sum3A_265 [1] : vector<256x64xf32> to vector<256xf32>
    %broadcast_in_dim3A_267 = vector.shape_cast %reduce_sum3A_266 : vector<256xf32> to vector<256x1xf32>
    %get3A_268 = arith.constant 8 : index
    %get3A_269 = arith.constant 0 : index
    %get3A_270 = vector.load %arg13[%get3A_268, %get3A_269] : memref<16x512xf32, #tpu.memory_space<vmem>>, vector<1x512xf32>
    %sub3A_271 = vector.broadcast %broadcast_in_dim3A_267 : vector<256x1xf32> to vector<256x512xf32>
    %sub3A_272 = arith.subf %dot_general3A_263, %sub3A_271 : vector<256x512xf32>
    %sub3A_273 = vector.broadcast %get3A_270 : vector<1x512xf32> to vector<256x512xf32>
    %sub3A_274 = arith.subf %sub3A_272, %sub3A_273 : vector<256x512xf32>
    %mul3A_275 = vector.broadcast %select_n3A : f32 to vector<256x512xf32>
    %mul3A_276 = arith.mulf %sub3A_274, %mul3A_275 : vector<256x512xf32>
    %swap3A_277 = arith.constant 0 : index
    %swap3A_278 = arith.constant 0 : index
    %swap3A_279 = vector.load %arg12[%swap3A_277, %swap3A_278] : memref<256x4096xf32, #tpu.memory_space<vmem>>, vector<256x512xf32>
    tpu.vector_store %arg12[%swap3A_277, %swap3A_278], %mul3A_276 {strides = array<i32>} : memref<256x4096xf32, #tpu.memory_space<vmem>>, vector<256x512xf32>,
    %reduce_max3A_280 = arith.constant dense<0xFF800000> : vector<256xf32>
    %reduce_max3A_281 = vector.multi_reduction <maximumf>, %sub3A_274, %reduce_max3A_280 [1] : vector<256x512xf32> to vector<256xf32>
    %broadcast_in_dim3A_282 = vector.shape_cast %reduce_max3A_281 : vector<256xf32> to vector<256x1xf32>
    %iota3A_283 = tpu.iota {dimensions = array<i32: 1>} : vector<256x512xi32>
    %eq3A_284 = vector.broadcast %broadcast_in_dim3A_282 : vector<256x1xf32> to vector<256x512xf32>
    %eq3A_285 = arith.cmpf oeq, %sub3A_274, %eq3A_284 : vector<256x512xf32>
    %jit3A_286 = arith.constant 512 : i32
    %broadcast_in_dim3A_287 = vector.broadcast %jit3A_286 : i32 to vector<256x512xi32>
    %select_n3A_288 = arith.select %eq3A_285, %iota3A_283, %broadcast_in_dim3A_287 : vector<256x512xi1>, vector<256x512xi32>
    %reduce_min3A_289 = arith.constant dense<2147483647> : vector<256xi32>
    %reduce_min3A_290 = vector.multi_reduction <minsi>, %select_n3A_288, %reduce_min3A_289 [1] : vector<256x512xi32> to vector<256xi32>
    %broadcast_in_dim3A_291 = vector.shape_cast %reduce_min3A_290 : vector<256xi32> to vector<256x1xi32>
    %slice3A_292 = vector.extract_strided_slice %dot_general3A_255 {offsets = [0, 64], sizes = [256, 64], strides = [1, 1]} : vector<256x512xf32> to vector<256x64xf32>
    %get3A_293 = arith.constant 1 : index
    %get3A_294 = arith.constant 0 : index
    %get3A_295 = arith.constant 0 : index
    %get3A_296 = vector.load %arg6[%get3A_293, %get3A_294, %get3A_295] : memref<8x512x64xf32, #tpu.memory_space<vmem>>, vector<1x512x64xf32>
    %get3A_297 = vector.shape_cast %get3A_296 : vector<1x512x64xf32> to vector<512x64xf32>
    %dot_general3A_298 = arith.constant dense<0.000000e+00> : vector<256x512xf32>
    %dot_general3A_299 = tpu.matmul %slice3A_292, %get3A_297, %dot_general3A_298 {dimension_numbers = #tpu.dot_dimension_numbers<[1], [1], [0], [0], [0, 0, 1, 0], [], []>, transpose_lhs_hint = false} : vector<256x64xf32>, vector<512x64xf32>, vector<256x512xf32> -> vector<256x512xf32>
    %mul3A_300 = arith.mulf %slice3A_292, %slice3A_292 : vector<256x64xf32>
    %reduce_sum3A_301 = arith.constant dense<0.000000e+00> : vector<256xf32>
    %reduce_sum3A_302 = vector.multi_reduction <add>, %mul3A_300, %reduce_sum3A_301 [1] : vector<256x64xf32> to vector<256xf32>
    %broadcast_in_dim3A_303 = vector.shape_cast %reduce_sum3A_302 : vector<256xf32> to vector<256x1xf32>
    %get3A_304 = arith.constant 9 : index
    %get3A_305 = arith.constant 0 : index
    %get3A_306 = vector.load %arg13[%get3A_304, %get3A_305] : memref<16x512xf32, #tpu.memory_space<vmem>>, vector<1x512xf32>
    %sub3A_307 = vector.broadcast %broadcast_in_dim3A_303 : vector<256x1xf32> to vector<256x512xf32>
    %sub3A_308 = arith.subf %dot_general3A_299, %sub3A_307 : vector<256x512xf32>
    %sub3A_309 = vector.broadcast %get3A_306 : vector<1x512xf32> to vector<256x512xf32>
    %sub3A_310 = arith.subf %sub3A_308, %sub3A_309 : vector<256x512xf32>
    %mul3A_311 = vector.broadcast %select_n3A : f32 to vector<256x512xf32>
    %mul3A_312 = arith.mulf %sub3A_310, %mul3A_311 : vector<256x512xf32>
    %swap3A_313 = arith.constant 0 : index
    %swap3A_314 = arith.constant 512 : index
    %swap3A_315 = vector.load %arg12[%swap3A_313, %swap3A_314] : memref<256x4096xf32, #tpu.memory_space<vmem>>, vector<256x512xf32>
    tpu.vector_store %arg12[%swap3A_313, %swap3A_314], %mul3A_312 {strides = array<i32>} : memref<256x4096xf32, #tpu.memory_space<vmem>>, vector<256x512xf32>,
    %reduce_max3A_316 = arith.constant dense<0xFF800000> : vector<256xf32>
    %reduce_max3A_317 = vector.multi_reduction <maximumf>, %sub3A_310, %reduce_max3A_316 [1] : vector<256x512xf32> to vector<256xf32>
    %broadcast_in_dim3A_318 = vector.shape_cast %reduce_max3A_317 : vector<256xf32> to vector<256x1xf32>
    %iota3A_319 = tpu.iota {dimensions = array<i32: 1>} : vector<256x512xi32>
    %eq3A_320 = vector.broadcast %broadcast_in_dim3A_318 : vector<256x1xf32> to vector<256x512xf32>
    %eq3A_321 = arith.cmpf oeq, %sub3A_310, %eq3A_320 : vector<256x512xf32>
    %jit3A_322 = arith.constant 512 : i32
    %broadcast_in_dim3A_323 = vector.broadcast %jit3A_322 : i32 to vector<256x512xi32>
    %select_n3A_324 = arith.select %eq3A_321, %iota3A_319, %broadcast_in_dim3A_323 : vector<256x512xi1>, vector<256x512xi32>
    %reduce_min3A_325 = arith.constant dense<2147483647> : vector<256xi32>
    %reduce_min3A_326 = vector.multi_reduction <minsi>, %select_n3A_324, %reduce_min3A_325 [1] : vector<256x512xi32> to vector<256xi32>
    %broadcast_in_dim3A_327 = vector.shape_cast %reduce_min3A_326 : vector<256xi32> to vector<256x1xi32>
    %slice3A_328 = vector.extract_strided_slice %dot_general3A_255 {offsets = [0, 128], sizes = [256, 64], strides = [1, 1]} : vector<256x512xf32> to vector<256x64xf32>
    %get3A_329 = arith.constant 2 : index
    %get3A_330 = arith.constant 0 : index
    %get3A_331 = arith.constant 0 : index
    %get3A_332 = vector.load %arg6[%get3A_329, %get3A_330, %get3A_331] : memref<8x512x64xf32, #tpu.memory_space<vmem>>, vector<1x512x64xf32>
    %get3A_333 = vector.shape_cast %get3A_332 : vector<1x512x64xf32> to vector<512x64xf32>
    %dot_general3A_334 = arith.constant dense<0.000000e+00> : vector<256x512xf32>
    %dot_general3A_335 = tpu.matmul %slice3A_328, %get3A_333, %dot_general3A_334 {dimension_numbers = #tpu.dot_dimension_numbers<[1], [1], [0], [0], [0, 0, 1, 0], [], []>, transpose_lhs_hint = false} : vector<256x64xf32>, vector<512x64xf32>, vector<256x512xf32> -> vector<256x512xf32>
    %mul3A_336 = arith.mulf %slice3A_328, %slice3A_328 : vector<256x64xf32>
    %reduce_sum3A_337 = arith.constant dense<0.000000e+00> : vector<256xf32>
    %reduce_sum3A_338 = vector.multi_reduction <add>, %mul3A_336, %reduce_sum3A_337 [1] : vector<256x64xf32> to vector<256xf32>
    %broadcast_in_dim3A_339 = vector.shape_cast %reduce_sum3A_338 : vector<256xf32> to vector<256x1xf32>
    %get3A_340 = arith.constant 10 : index
    %get3A_341 = arith.constant 0 : index
    %get3A_342 = vector.load %arg13[%get3A_340, %get3A_341] : memref<16x512xf32, #tpu.memory_space<vmem>>, vector<1x512xf32>
    %sub3A_343 = vector.broadcast %broadcast_in_dim3A_339 : vector<256x1xf32> to vector<256x512xf32>
    %sub3A_344 = arith.subf %dot_general3A_335, %sub3A_343 : vector<256x512xf32>
    %sub3A_345 = vector.broadcast %get3A_342 : vector<1x512xf32> to vector<256x512xf32>
    %sub3A_346 = arith.subf %sub3A_344, %sub3A_345 : vector<256x512xf32>
    %mul3A_347 = vector.broadcast %select_n3A : f32 to vector<256x512xf32>
    %mul3A_348 = arith.mulf %sub3A_346, %mul3A_347 : vector<256x512xf32>
    %swap3A_349 = arith.constant 0 : index
    %swap3A_350 = arith.constant 1024 : index
    %swap3A_351 = vector.load %arg12[%swap3A_349, %swap3A_350] : memref<256x4096xf32, #tpu.memory_space<vmem>>, vector<256x512xf32>
    tpu.vector_store %arg12[%swap3A_349, %swap3A_350], %mul3A_348 {strides = array<i32>} : memref<256x4096xf32, #tpu.memory_space<vmem>>, vector<256x512xf32>,
    %slice3A_352 = vector.extract_strided_slice %dot_general3A_255 {offsets = [0, 192], sizes = [256, 64], strides = [1, 1]} : vector<256x512xf32> to vector<256x64xf32>
    %get3A_353 = arith.constant 3 : index
    %get3A_354 = arith.constant 0 : index
    %get3A_355 = arith.constant 0 : index
    %get3A_356 = vector.load %arg6[%get3A_353, %get3A_354, %get3A_355] : memref<8x512x64xf32, #tpu.memory_space<vmem>>, vector<1x512x64xf32>
    %get3A_357 = vector.shape_cast %get3A_356 : vector<1x512x64xf32> to vector<512x64xf32>
    %dot_general3A_358 = arith.constant dense<0.000000e+00> : vector<256x512xf32>
    %dot_general3A_359 = tpu.matmul %slice3A_352, %get3A_357, %dot_general3A_358 {dimension_numbers = #tpu.dot_dimension_numbers<[1], [1], [0], [0], [0, 0, 1, 0], [], []>, transpose_lhs_hint = false} : vector<256x64xf32>, vector<512x64xf32>, vector<256x512xf32> -> vector<256x512xf32>
    %mul3A_360 = arith.mulf %slice3A_352, %slice3A_352 : vector<256x64xf32>
    %reduce_sum3A_361 = arith.constant dense<0.000000e+00> : vector<256xf32>
    %reduce_sum3A_362 = vector.multi_reduction <add>, %mul3A_360, %reduce_sum3A_361 [1] : vector<256x64xf32> to vector<256xf32>
    %broadcast_in_dim3A_363 = vector.shape_cast %reduce_sum3A_362 : vector<256xf32> to vector<256x1xf32>
    %get3A_364 = arith.constant 11 : index
    %get3A_365 = arith.constant 0 : index
    %get3A_366 = vector.load %arg13[%get3A_364, %get3A_365] : memref<16x512xf32, #tpu.memory_space<vmem>>, vector<1x512xf32>
    %sub3A_367 = vector.broadcast %broadcast_in_dim3A_363 : vector<256x1xf32> to vector<256x512xf32>
    %sub3A_368 = arith.subf %dot_general3A_359, %sub3A_367 : vector<256x512xf32>
    %sub3A_369 = vector.broadcast %get3A_366 : vector<1x512xf32> to vector<256x512xf32>
    %sub3A_370 = arith.subf %sub3A_368, %sub3A_369 : vector<256x512xf32>
    %mul3A_371 = vector.broadcast %select_n3A : f32 to vector<256x512xf32>
    %mul3A_372 = arith.mulf %sub3A_370, %mul3A_371 : vector<256x512xf32>
    %swap3A_373 = arith.constant 0 : index
    %swap3A_374 = arith.constant 1536 : index
    %swap3A_375 = vector.load %arg12[%swap3A_373, %swap3A_374] : memref<256x4096xf32, #tpu.memory_space<vmem>>, vector<256x512xf32>
    tpu.vector_store %arg12[%swap3A_373, %swap3A_374], %mul3A_372 {strides = array<i32>} : memref<256x4096xf32, #tpu.memory_space<vmem>>, vector<256x512xf32>,
    %slice3A_376 = vector.extract_strided_slice %dot_general3A_255 {offsets = [0, 256], sizes = [256, 64], strides = [1, 1]} : vector<256x512xf32> to vector<256x64xf32>
    %get3A_377 = arith.constant 4 : index
    %get3A_378 = arith.constant 0 : index
    %get3A_379 = arith.constant 0 : index
    %get3A_380 = vector.load %arg6[%get3A_377, %get3A_378, %get3A_379] : memref<8x512x64xf32, #tpu.memory_space<vmem>>, vector<1x512x64xf32>
    %get3A_381 = vector.shape_cast %get3A_380 : vector<1x512x64xf32> to vector<512x64xf32>
    %dot_general3A_382 = arith.constant dense<0.000000e+00> : vector<256x512xf32>
    %dot_general3A_383 = tpu.matmul %slice3A_376, %get3A_381, %dot_general3A_382 {dimension_numbers = #tpu.dot_dimension_numbers<[1], [1], [0], [0], [0, 0, 1, 0], [], []>, transpose_lhs_hint = false} : vector<256x64xf32>, vector<512x64xf32>, vector<256x512xf32> -> vector<256x512xf32>
    %mul3A_384 = arith.mulf %slice3A_376, %slice3A_376 : vector<256x64xf32>
    %reduce_sum3A_385 = arith.constant dense<0.000000e+00> : vector<256xf32>
    %reduce_sum3A_386 = vector.multi_reduction <add>, %mul3A_384, %reduce_sum3A_385 [1] : vector<256x64xf32> to vector<256xf32>
    %broadcast_in_dim3A_387 = vector.shape_cast %reduce_sum3A_386 : vector<256xf32> to vector<256x1xf32>
    %get3A_388 = arith.constant 12 : index
    %get3A_389 = arith.constant 0 : index
    %get3A_390 = vector.load %arg13[%get3A_388, %get3A_389] : memref<16x512xf32, #tpu.memory_space<vmem>>, vector<1x512xf32>
    %sub3A_391 = vector.broadcast %broadcast_in_dim3A_387 : vector<256x1xf32> to vector<256x512xf32>
    %sub3A_392 = arith.subf %dot_general3A_383, %sub3A_391 : vector<256x512xf32>
    %sub3A_393 = vector.broadcast %get3A_390 : vector<1x512xf32> to vector<256x512xf32>
    %sub3A_394 = arith.subf %sub3A_392, %sub3A_393 : vector<256x512xf32>
    %mul3A_395 = vector.broadcast %select_n3A : f32 to vector<256x512xf32>
    %mul3A_396 = arith.mulf %sub3A_394, %mul3A_395 : vector<256x512xf32>
    %swap3A_397 = arith.constant 0 : index
    %swap3A_398 = arith.constant 2048 : index
    %swap3A_399 = vector.load %arg12[%swap3A_397, %swap3A_398] : memref<256x4096xf32, #tpu.memory_space<vmem>>, vector<256x512xf32>
    tpu.vector_store %arg12[%swap3A_397, %swap3A_398], %mul3A_396 {strides = array<i32>} : memref<256x4096xf32, #tpu.memory_space<vmem>>, vector<256x512xf32>,
    %reduce_max3A_400 = arith.constant dense<0xFF800000> : vector<256xf32>
    %reduce_max3A_401 = vector.multi_reduction <maximumf>, %sub3A_394, %reduce_max3A_400 [1] : vector<256x512xf32> to vector<256xf32>
    %broadcast_in_dim3A_402 = vector.shape_cast %reduce_max3A_401 : vector<256xf32> to vector<256x1xf32>
    %iota3A_403 = tpu.iota {dimensions = array<i32: 1>} : vector<256x512xi32>
    %eq3A_404 = vector.broadcast %broadcast_in_dim3A_402 : vector<256x1xf32> to vector<256x512xf32>
    %eq3A_405 = arith.cmpf oeq, %sub3A_394, %eq3A_404 : vector<256x512xf32>
    %jit3A_406 = arith.constant 512 : i32
    %broadcast_in_dim3A_407 = vector.broadcast %jit3A_406 : i32 to vector<256x512xi32>
    %select_n3A_408 = arith.select %eq3A_405, %iota3A_403, %broadcast_in_dim3A_407 : vector<256x512xi1>, vector<256x512xi32>
    %reduce_min3A_409 = arith.constant dense<2147483647> : vector<256xi32>
    %reduce_min3A_410 = vector.multi_reduction <minsi>, %select_n3A_408, %reduce_min3A_409 [1] : vector<256x512xi32> to vector<256xi32>
    %broadcast_in_dim3A_411 = vector.shape_cast %reduce_min3A_410 : vector<256xi32> to vector<256x1xi32>
    %slice3A_412 = vector.extract_strided_slice %dot_general3A_255 {offsets = [0, 320], sizes = [256, 64], strides = [1, 1]} : vector<256x512xf32> to vector<256x64xf32>
    %get3A_413 = arith.constant 5 : index
    %get3A_414 = arith.constant 0 : index
    %get3A_415 = arith.constant 0 : index
    %get3A_416 = vector.load %arg6[%get3A_413, %get3A_414, %get3A_415] : memref<8x512x64xf32, #tpu.memory_space<vmem>>, vector<1x512x64xf32>
    %get3A_417 = vector.shape_cast %get3A_416 : vector<1x512x64xf32> to vector<512x64xf32>
    %dot_general3A_418 = arith.constant dense<0.000000e+00> : vector<256x512xf32>
    %dot_general3A_419 = tpu.matmul %slice3A_412, %get3A_417, %dot_general3A_418 {dimension_numbers = #tpu.dot_dimension_numbers<[1], [1], [0], [0], [0, 0, 1, 0], [], []>, transpose_lhs_hint = false} : vector<256x64xf32>, vector<512x64xf32>, vector<256x512xf32> -> vector<256x512xf32>
    %mul3A_420 = arith.mulf %slice3A_412, %slice3A_412 : vector<256x64xf32>
    %reduce_sum3A_421 = arith.constant dense<0.000000e+00> : vector<256xf32>
    %reduce_sum3A_422 = vector.multi_reduction <add>, %mul3A_420, %reduce_sum3A_421 [1] : vector<256x64xf32> to vector<256xf32>
    %broadcast_in_dim3A_423 = vector.shape_cast %reduce_sum3A_422 : vector<256xf32> to vector<256x1xf32>
    %get3A_424 = arith.constant 13 : index
    %get3A_425 = arith.constant 0 : index
    %get3A_426 = vector.load %arg13[%get3A_424, %get3A_425] : memref<16x512xf32, #tpu.memory_space<vmem>>, vector<1x512xf32>
    %sub3A_427 = vector.broadcast %broadcast_in_dim3A_423 : vector<256x1xf32> to vector<256x512xf32>
    %sub3A_428 = arith.subf %dot_general3A_419, %sub3A_427 : vector<256x512xf32>
    %sub3A_429 = vector.broadcast %get3A_426 : vector<1x512xf32> to vector<256x512xf32>
    %sub3A_430 = arith.subf %sub3A_428, %sub3A_429 : vector<256x512xf32>
    %mul3A_431 = vector.broadcast %select_n3A : f32 to vector<256x512xf32>
    %mul3A_432 = arith.mulf %sub3A_430, %mul3A_431 : vector<256x512xf32>
    %swap3A_433 = arith.constant 0 : index
    %swap3A_434 = arith.constant 2560 : index
    %swap3A_435 = vector.load %arg12[%swap3A_433, %swap3A_434] : memref<256x4096xf32, #tpu.memory_space<vmem>>, vector<256x512xf32>
    tpu.vector_store %arg12[%swap3A_433, %swap3A_434], %mul3A_432 {strides = array<i32>} : memref<256x4096xf32, #tpu.memory_space<vmem>>, vector<256x512xf32>,
    %reduce_max3A_436 = arith.constant dense<0xFF800000> : vector<256xf32>
    %reduce_max3A_437 = vector.multi_reduction <maximumf>, %sub3A_430, %reduce_max3A_436 [1] : vector<256x512xf32> to vector<256xf32>
    %broadcast_in_dim3A_438 = vector.shape_cast %reduce_max3A_437 : vector<256xf32> to vector<256x1xf32>
    %iota3A_439 = tpu.iota {dimensions = array<i32: 1>} : vector<256x512xi32>
    %eq3A_440 = vector.broadcast %broadcast_in_dim3A_438 : vector<256x1xf32> to vector<256x512xf32>
    %eq3A_441 = arith.cmpf oeq, %sub3A_430, %eq3A_440 : vector<256x512xf32>
    %jit3A_442 = arith.constant 512 : i32
    %broadcast_in_dim3A_443 = vector.broadcast %jit3A_442 : i32 to vector<256x512xi32>
    %select_n3A_444 = arith.select %eq3A_441, %iota3A_439, %broadcast_in_dim3A_443 : vector<256x512xi1>, vector<256x512xi32>
    %reduce_min3A_445 = arith.constant dense<2147483647> : vector<256xi32>
    %reduce_min3A_446 = vector.multi_reduction <minsi>, %select_n3A_444, %reduce_min3A_445 [1] : vector<256x512xi32> to vector<256xi32>
    %broadcast_in_dim3A_447 = vector.shape_cast %reduce_min3A_446 : vector<256xi32> to vector<256x1xi32>
    %slice3A_448 = vector.extract_strided_slice %dot_general3A_255 {offsets = [0, 384], sizes = [256, 64], strides = [1, 1]} : vector<256x512xf32> to vector<256x64xf32>
    %get3A_449 = arith.constant 6 : index
    %get3A_450 = arith.constant 0 : index
    %get3A_451 = arith.constant 0 : index
    %get3A_452 = vector.load %arg6[%get3A_449, %get3A_450, %get3A_451] : memref<8x512x64xf32, #tpu.memory_space<vmem>>, vector<1x512x64xf32>
    %get3A_453 = vector.shape_cast %get3A_452 : vector<1x512x64xf32> to vector<512x64xf32>
    %dot_general3A_454 = arith.constant dense<0.000000e+00> : vector<256x512xf32>
    %dot_general3A_455 = tpu.matmul %slice3A_448, %get3A_453, %dot_general3A_454 {dimension_numbers = #tpu.dot_dimension_numbers<[1], [1], [0], [0], [0, 0, 1, 0], [], []>, transpose_lhs_hint = false} : vector<256x64xf32>, vector<512x64xf32>, vector<256x512xf32> -> vector<256x512xf32>
    %mul3A_456 = arith.mulf %slice3A_448, %slice3A_448 : vector<256x64xf32>
    %reduce_sum3A_457 = arith.constant dense<0.000000e+00> : vector<256xf32>
    %reduce_sum3A_458 = vector.multi_reduction <add>, %mul3A_456, %reduce_sum3A_457 [1] : vector<256x64xf32> to vector<256xf32>
    %broadcast_in_dim3A_459 = vector.shape_cast %reduce_sum3A_458 : vector<256xf32> to vector<256x1xf32>
    %get3A_460 = arith.constant 14 : index
    %get3A_461 = arith.constant 0 : index
    %get3A_462 = vector.load %arg13[%get3A_460, %get3A_461] : memref<16x512xf32, #tpu.memory_space<vmem>>, vector<1x512xf32>
    %sub3A_463 = vector.broadcast %broadcast_in_dim3A_459 : vector<256x1xf32> to vector<256x512xf32>
    %sub3A_464 = arith.subf %dot_general3A_455, %sub3A_463 : vector<256x512xf32>
    %sub3A_465 = vector.broadcast %get3A_462 : vector<1x512xf32> to vector<256x512xf32>
    %sub3A_466 = arith.subf %sub3A_464, %sub3A_465 : vector<256x512xf32>
    %mul3A_467 = vector.broadcast %select_n3A : f32 to vector<256x512xf32>
    %mul3A_468 = arith.mulf %sub3A_466, %mul3A_467 : vector<256x512xf32>
    %swap3A_469 = arith.constant 0 : index
    %swap3A_470 = arith.constant 3072 : index
    %swap3A_471 = vector.load %arg12[%swap3A_469, %swap3A_470] : memref<256x4096xf32, #tpu.memory_space<vmem>>, vector<256x512xf32>
    tpu.vector_store %arg12[%swap3A_469, %swap3A_470], %mul3A_468 {strides = array<i32>} : memref<256x4096xf32, #tpu.memory_space<vmem>>, vector<256x512xf32>,
    %slice3A_472 = vector.extract_strided_slice %dot_general3A_255 {offsets = [0, 448], sizes = [256, 64], strides = [1, 1]} : vector<256x512xf32> to vector<256x64xf32>
    %get3A_473 = arith.constant 7 : index
    %get3A_474 = arith.constant 0 : index
    %get3A_475 = arith.constant 0 : index
    %get3A_476 = vector.load %arg6[%get3A_473, %get3A_474, %get3A_475] : memref<8x512x64xf32, #tpu.memory_space<vmem>>, vector<1x512x64xf32>
    %get3A_477 = vector.shape_cast %get3A_476 : vector<1x512x64xf32> to vector<512x64xf32>
    %dot_general3A_478 = arith.constant dense<0.000000e+00> : vector<256x512xf32>
    %dot_general3A_479 = tpu.matmul %slice3A_472, %get3A_477, %dot_general3A_478 {dimension_numbers = #tpu.dot_dimension_numbers<[1], [1], [0], [0], [0, 0, 1, 0], [], []>, transpose_lhs_hint = false} : vector<256x64xf32>, vector<512x64xf32>, vector<256x512xf32> -> vector<256x512xf32>
    %mul3A_480 = arith.mulf %slice3A_472, %slice3A_472 : vector<256x64xf32>
    %reduce_sum3A_481 = arith.constant dense<0.000000e+00> : vector<256xf32>
    %reduce_sum3A_482 = vector.multi_reduction <add>, %mul3A_480, %reduce_sum3A_481 [1] : vector<256x64xf32> to vector<256xf32>
    %broadcast_in_dim3A_483 = vector.shape_cast %reduce_sum3A_482 : vector<256xf32> to vector<256x1xf32>
    %get3A_484 = arith.constant 15 : index
    %get3A_485 = arith.constant 0 : index
    %get3A_486 = vector.load %arg13[%get3A_484, %get3A_485] : memref<16x512xf32, #tpu.memory_space<vmem>>, vector<1x512xf32>
    %sub3A_487 = vector.broadcast %broadcast_in_dim3A_483 : vector<256x1xf32> to vector<256x512xf32>
    %sub3A_488 = arith.subf %dot_general3A_479, %sub3A_487 : vector<256x512xf32>
    %sub3A_489 = vector.broadcast %get3A_486 : vector<1x512xf32> to vector<256x512xf32>
    %sub3A_490 = arith.subf %sub3A_488, %sub3A_489 : vector<256x512xf32>
    %mul3A_491 = vector.broadcast %select_n3A : f32 to vector<256x512xf32>
    %mul3A_492 = arith.mulf %sub3A_490, %mul3A_491 : vector<256x512xf32>
    %swap3A_493 = arith.constant 0 : index
    %swap3A_494 = arith.constant 3584 : index
    %swap3A_495 = vector.load %arg12[%swap3A_493, %swap3A_494] : memref<256x4096xf32, #tpu.memory_space<vmem>>, vector<256x512xf32>
    tpu.vector_store %arg12[%swap3A_493, %swap3A_494], %mul3A_492 {strides = array<i32>} : memref<256x4096xf32, #tpu.memory_space<vmem>>, vector<256x512xf32>,
    %concatenate3A_496 = tpu.concatenate %broadcast_in_dim3A_291, %broadcast_in_dim3A_411 in 1 : vector<256x1xi32>, vector<256x1xi32> -> vector<256x2xi32>
    %swap3A_497 = arith.constant 0 : index
    %swap3A_498 = arith.constant 0 : index
    %swap3A_499 = vector.load %arg9[%swap3A_497, %swap3A_498] : memref<256x2xi32, #tpu.memory_space<vmem>>, vector<256x2xi32>
    tpu.vector_store %arg9[%swap3A_497, %swap3A_498], %concatenate3A_496 {strides = array<i32>} : memref<256x2xi32, #tpu.memory_space<vmem>>, vector<256x2xi32>,
    %concatenate3A_500 = tpu.concatenate %broadcast_in_dim3A_327, %broadcast_in_dim3A_447 in 1 : vector<256x1xi32>, vector<256x1xi32> -> vector<256x2xi32>
    %swap3A_501 = arith.constant 0 : index
    %swap3A_502 = arith.constant 0 : index
    %swap3A_503 = vector.load %arg10[%swap3A_501, %swap3A_502] : memref<256x2xi32, #tpu.memory_space<vmem>>, vector<256x2xi32>
    tpu.vector_store %arg10[%swap3A_501, %swap3A_502], %concatenate3A_500 {strides = array<i32>} : memref<256x2xi32, #tpu.memory_space<vmem>>, vector<256x2xi32>,
    return
  }
  func.func @transform_0(%arg0: i32) -> (i32, i32) {
    %c0_i32 = arith.constant 0 : i32
    %c0_i32_0 = arith.constant 0 : i32
    %c0_i32_1 = arith.constant 0 : i32
    return %c0_i32, %c0_i32_0 : i32, i32
  }
  func.func @transform_1(%arg0: i32) -> (i32, i32) {
    %c0_i32 = arith.constant 0 : i32
    %c0_i32_0 = arith.constant 0 : i32
    return %arg0, %c0_i32 : i32, i32
  }
  func.func @transform_2(%arg0: i32) -> (i32, i32) {
    %c0_i32 = arith.constant 0 : i32
    %c0_i32_0 = arith.constant 0 : i32
    %c0_i32_1 = arith.constant 0 : i32
    return %c0_i32, %c0_i32_0 : i32, i32
  }
  func.func @transform_3(%arg0: i32) -> (i32, i32) {
    %c0_i32 = arith.constant 0 : i32
    %c0_i32_0 = arith.constant 0 : i32
    %c0_i32_1 = arith.constant 0 : i32
    return %c0_i32, %c0_i32_0 : i32, i32
  }
  func.func @transform_4(%arg0: i32) -> (i32, i32, i32) {
    %c0_i32 = arith.constant 0 : i32
    %c0_i32_0 = arith.constant 0 : i32
    %c0_i32_1 = arith.constant 0 : i32
    %c0_i32_2 = arith.constant 0 : i32
    return %c0_i32, %c0_i32_0, %c0_i32_1 : i32, i32, i32
  }
  func.func @transform_5(%arg0: i32) -> (i32, i32, i32) {
    %c0_i32 = arith.constant 0 : i32
    %c0_i32_0 = arith.constant 0 : i32
    %c0_i32_1 = arith.constant 0 : i32
    %c0_i32_2 = arith.constant 0 : i32
    return %c0_i32, %c0_i32_0, %c0_i32_1 : i32, i32, i32
  }
  func.func @transform_6(%arg0: i32) -> (i32, i32) {
    %c0_i32 = arith.constant 0 : i32
    %c0_i32_0 = arith.constant 0 : i32
    return %arg0, %c0_i32 : i32, i32
  }
  func.func @transform_7(%arg0: i32) -> (i32, i32) {
    %c0_i32 = arith.constant 0 : i32
    %c0_i32_0 = arith.constant 0 : i32
    return %arg0, %c0_i32 : i32, i32
  }
  func.func @transform_8(%arg0: i32) -> (i32, i32) {
    %c0_i32 = arith.constant 0 : i32
    %c0_i32_0 = arith.constant 0 : i32
    return %arg0, %c0_i32 : i32, i32
  }
  func.func @transform_9(%arg0: i32) -> (i32, i32) {
    %c0_i32 = arith.constant 0 : i32
    %c0_i32_0 = arith.constant 0 : i32
    return %arg0, %c0_i32 : i32, i32
  }
  func.func @transform_10(%arg0: i32) -> (i32, i32) {
    %c0_i32 = arith.constant 0 : i32
    %c0_i32_0 = arith.constant 0 : i32
    return %arg0, %c0_i32 : i32, i32
  }
  func.func @transform_11(%arg0: i32) -> (i32, i32) {
    %c0_i32 = arith.constant 0 : i32
    %c0_i32_0 = arith.constant 0 : i32
    return %arg0, %c0_i32 : i32, i32
  }
}

</mosaic_0001>

<sc_bundles>
// kernel: kernel.4.cloned.1.call-start
scs
__scs_entry_jumppad:
0x0: {  	(pc) =	sbr.rel $0x88, $3  }
0x1: {  	(tag) =	ssettag $0x0;
	lr =	simm.s32 $0x1  }
0x2: {  	[smem:$0x3F9B] =	sst lr;
	_ =	strace $0xD0000000  }
0x3: {  	_ = 	snop  }
0x4: {  	_ = 	snop  }
0x5: {  	_ = 	snop  }
0x6: {  	_ = 	snop  }
0x7: {  	_ = 	snop  }
__scs_overlays_trampoline_lowered:
0x8: {  	[smem:$0x3FAA] =	sst s0  }
0x9: {  	[smem:$0x3FAB] =	sst s1  }
0xa: {  	[smem:$0x3FAC] =	sst s2  }
0xb: {  	[smem:$0x3FAD] =	sst s3  }
0xc: {  	[smem:$0x3FAE] =	sst s4  }
0xd: {  	[smem:$0x3FAF] =	sst s5  }
0xe: {  	[smem:$0x3FB0] =	sst s6  }
0xf: {  	[smem:$0x3FB1] =	sst s7  }
0x10: {  	[smem:$0x3FB2] =	sst s8  }
0x11: {  	[smem:$0x3FB3] =	sst s9;
	s0 =	simm.s32 @!p0 $0x0  }
0x12: {  	s1 =	sld [smem:$0x3F99];
	s0 =	simm.s32 @p0 $0x1  }
0x13: {  	[smem:$0x3FB4] =	sst s0;
	s0 =	simm.s32 @!p1 $0x0  }
0x14: {  	s2 =	sld [smem:$0x3F98];
	s0 =	simm.s32 @p1 $0x1  }
0x15: {  	[smem:$0x3FB5] =	sst s0;
	s0 =	simm.s32 @!p2 $0x0  }
0x16: {  	s3 =	sld [smem:$0x3FDB];
	s0 =	simm.s32 @p2 $0x1  }
0x17: {  	s4 =	simm.s32 $0x1BF5;
	[smem:$0x3FB7] =	sst s0  }
0x18: {  	s0 =	sld [smem:$0x3F9A];
	_ =	swait.ge [sflag:s4], $0x0  }
0x19: {  	s7 =	sld [smem:$0x3F9B]  }
0x1a: {  	s8 =	sadd.s32 $0xFFFFE003, lr  }
0x1b: {  	s9 =	sadd.s32 $0xFFFFFEF7, lr;
	s5 =	simm.s32 $0xFFFFFFFF;
	p2 =	slt.u32 s8, $0xFFFFF086  }
0x1c: {  	p1 =	slt.u32 s9, $0xF7A;
	s5 =	simm.s32 @!p2 $0x0  }
0x1d: {  	s5 =	simm.s32 @p1 $0x1;
	p0 =	seq.s32 s7, s2  }
0x1e: {  	s7 =	smul.u32 @!p0 $0xF7A, s2;
	p2 =	seq.s32 @!p0 s5, $0x0  }
0x1f: {  	s9 =	smul.u32 $0xF7A, s1;
	s8 =	simm.s32 @!p0 $0x1BF5;
	p2 =	por !p2, p0  }
0x20: {  	[sflag:s8] =	ssyncset.s32 @!p0 $0xFFFFF086;
	s6 =	sadd.s32 @!p0 s3, s7;
	s7 =	simm.s32 @!p0 $0x108  }
0x21: {  	s3 =	sadd.s32 s3, s9;
	s6 =	sadd.s32 @!p0 $0x88, s6;
	s7 =	simm.s32 @p2 $0x1082  }
0x22: {  	[simem:s7], [sflag:s8] =	dma.local @!p0 [hbm:s6], $0xF7A  }
0x23: {  	s9 =	sor.u32 $0xD0000000, s2;
	s6 =	simm.s32 $0x108;
	_ =	swait.ge @!p0 [sflag:s8], $0x0  }
0x24: {  	s3 =	sadd.s32 $0x88, s3;
	s6 =	simm.s32 @!p1 $0x1082;
	[sflag:s4] =	ssyncset.s32 $0xFFFFF086  }
0x25: {  	[simem:s6], [sflag:s4] =	dma.local [hbm:s3], $0xF7A  }
0x26: {  	[smem:$0x3F9B] =	sst s1;
	(tag) =	ssettag s2;
	_ =	strace s9  }
0x27: {  	s1 =	sld [smem:$0x3FAB]  }
0x28: {  	s2 =	sld [smem:$0x3FAC]  }
0x29: {  	s4 =	sld [smem:$0x3FAE]  }
0x2a: {  	p0 =	seq.s32 s5, $0x0;
	s5 =	sld [smem:$0x3FAF]  }
0x2b: {  	s6 =	sld [smem:$0x3FB0]  }
0x2c: {  	s7 =	sld [smem:$0x3FB1]  }
0x2d: {  	s3 =	simm.s32 $0x108;
	s8 =	sld [smem:$0x3FB2]  }
0x2e: {  	s3 =	simm.s32 @!p0 $0x1082;
	s9 =	sld [smem:$0x3FB3]  }
0x2f: {  	lr =	sadd.s32 s0, s3;
	s0 =	sld [smem:$0x3FAA]  }
0x30: {  	s3 =	sld [smem:$0x3FAD]  }
0x31: {  	[smem:$0x3FB6] =	sst s10  }
0x32: {  	s10 =	sld [smem:$0x3FB4];
	_ =	sdelay $0x3  }
0x33: {  	p0 =	seq.s32 s10, $0x1;
	s10 =	sld [smem:$0x3FB6];
	_ =	sdelay $0x3  }
0x34: {  	[smem:$0x3FB6] =	sst s10  }
0x35: {  	s10 =	sld [smem:$0x3FB5];
	_ =	sdelay $0x3  }
0x36: {  	p1 =	seq.s32 s10, $0x1;
	s10 =	sld [smem:$0x3FB6];
	_ =	sdelay $0x3  }
0x37: {  	[smem:$0x3FB6] =	sst s10  }
0x38: {  	s10 =	sld [smem:$0x3FB7]  }
0x39: {  	_ = 	snop;
	(pc) =	sbr.ind lr, $3  }
0x3a: {  	_ = 	snop  }
0x3b: {  	_ = 	snop  }
0x3c: {  	p2 =	seq.s32 s10, $0x1;
	s10 =	sld [smem:$0x3FB6]  }
0x3d: {  	_ =	shalt  }
0x3e: {  	_ =	shalt  }
0x3f: {  	_ =	shalt  }
0x40: {  	_ =	shalt  }
0x41: {  	_ =	shalt  }
0x42: {  	_ =	shalt  }
0x43: {  	_ =	shalt  }
0x44: {  	_ =	shalt  }
0x45: {  	_ =	shalt  }
0x46: {  	_ =	shalt  }
0x47: {  	_ =	shalt  }
0x48: {  	_ =	shalt  }
0x49: {  	_ =	shalt  }
0x4a: {  	_ =	shalt  }
0x4b: {  	_ =	shalt  }
0x4c: {  	_ =	shalt  }
0x4d: {  	_ =	shalt  }
0x4e: {  	_ =	shalt  }
0x4f: {  	_ =	shalt  }
0x50: {  	_ =	shalt  }
0x51: {  	_ =	shalt  }
0x52: {  	_ =	shalt  }
0x53: {  	_ =	shalt  }
0x54: {  	_ =	shalt  }
0x55: {  	_ =	shalt  }
0x56: {  	_ =	shalt  }
0x57: {  	_ =	shalt  }
0x58: {  	_ =	shalt  }
0x59: {  	_ =	shalt  }
0x5a: {  	_ =	shalt  }
0x5b: {  	_ =	shalt  }
0x5c: {  	_ =	shalt  }
0x5d: {  	_ =	shalt  }
0x5e: {  	_ =	shalt  }
0x5f: {  	_ =	shalt  }
0x60: {  	_ =	shalt  }
0x61: {  	_ =	shalt  }
0x62: {  	_ =	shalt  }
0x63: {  	_ =	shalt  }
0x64: {  	_ =	shalt  }
0x65: {  	_ =	shalt  }
0x66: {  	_ =	shalt  }
0x67: {  	_ =	shalt  }
0x68: {  	_ =	shalt  }
0x69: {  	_ =	shalt  }
0x6a: {  	_ =	shalt  }
0x6b: {  	_ =	shalt  }
0x6c: {  	_ =	shalt  }
0x6d: {  	_ =	shalt  }
0x6e: {  	_ =	shalt  }
0x6f: {  	_ =	shalt  }
0x70: {  	_ =	shalt  }
0x71: {  	_ =	shalt  }
0x72: {  	_ =	shalt  }
0x73: {  	_ =	shalt  }
0x74: {  	_ =	shalt  }
0x75: {  	_ =	shalt  }
0x76: {  	_ =	shalt  }
0x77: {  	_ =	shalt  }
0x78: {  	_ =	shalt  }
0x79: {  	_ =	shalt  }
0x7a: {  	_ =	shalt  }
0x7b: {  	_ =	shalt  }
0x7c: {  	_ =	shalt  }
0x7d: {  	_ =	shalt  }
0x7e: {  	_ =	shalt  }
0x7f: {  	_ =	shalt  }
0x80: {  	_ =	shalt  }
0x81: {  	_ =	shalt  }
0x82: {  	_ =	shalt  }
0x83: {  	_ =	shalt  }
0x84: {  	_ =	shalt  }
0x85: {  	_ =	shalt  }
0x86: {  	_ =	shalt  }
0x87: {  	_ =	shalt  }
.Lfunc_end0:
.L_simem_size_0:
called_computation_lowered:
.L_overlay_start_0:
0x88: {  	s2 =	sld [smem:$0x3FD9]  }
0x89: {  	s3 =	sld [smem:$0x3FFE];
	_ =	sdelay $0x1  }
0x8a: {  	s1 =	srdreg.scid  }
0x8b: {  	s0 =	sand.u32 $0x1, s1  }
0x8c: {  	s14 =	sshll.u32 s0, $0xA;
	s2 =	sadd.s32 s3, s2  }
0x8d: {  	s2 =	sadd.s32 s2, s14  }
0x8e: {  	[smem:$0x3FC2] =	sst s2  }
0x8f: {  	_ = 	snop  }
0x90: {  	s2 =	sld [smem:$0x3FD0];
	_ =	sdelay $0x2  }
0x91: {  	s15 =	simm.s32 $0xA;
	s4 =	simm.s32 $0x10  }
0x92: {  	[smem:s4], [sflag:s15] =	dma.local [hbm:s2], $0x1  }
0x93: {  	_ =	swait.eq [sflag:s15], $0x1  }
0x94: {  	[sflag:s15] =	ssyncset.done $0x0  }
0x95: {  	s16 =	sld [smem:$0x10];
	[sflag:s15] =	ssyncadd.s32 $0xFFFFFFFF  }
0x96: {  	s17 =	sld [smem:$0x11];
	(tm) =	ssettm $0x1  }
0x97: {  	s18 =	sld [smem:$0x3FFB];
	_ =	sdelay $0x3  }
0x98: {  	_ =	strace s18  }
0x99: {  	s4 =	sld [smem:$0x3FFC];
	_ =	sdelay $0x3  }
0x9a: {  	_ =	strace s4  }
0x9b: {  	s4 =	sld [smem:$0x3FFD];
	_ =	sdelay $0x3  }
0x9c: {  	_ =	strace s4  }
0x9d: {  	_ =	strace $0x8FFFFFFF  }
0x9e: {  	s19 =	sld [smem:$0x3FDB];
	_ =	sdelay $0x1  }
0x9f: {  	s5 =	simm.s32 $_scs_section_size  }
0xa0: {  	s6 =	simm.s32 $_size__tile_overlayer_lowered;
	s7 =	simm.s32 $_tile_overlayer_lowered  }
0xa1: {  	s22 =	simm.s32 $0x1BFF;
	s21 =	sshll.u32 s7, $0x1;
	s4 =	sadd.s32 s5, s19  }
0xa2: {  	s8 =	simm.s32 $0x0;
	s20 =	sshll.u32 s6, $0x1;
	s6 =	sadd.s32 s21, s4  }
0xa3: {  	[timem:s8], [sflag:s22] =	dma.local [hbm:s6], s20  }
0xa4: {  	_ =	swait.ge [sflag:s22], s20  }
0xa5: {  	s5 =	ssub.s32 $0x0, s20;
	[sflag:s22] =	ssyncset.done $0x0  }
0xa6: {  	[sflag:s22] =	ssyncadd.s32 s5;
	_ =	sdelay $0x1  }
0xa7: {  	s23 =	simm.s32 $0x1B8B  }
0xa8: {  	_ =	swait.ge [sflag:s23], $0x1  }
0xa9: {  	[sflag:s23] =	ssyncset.done $0x0  }
0xaa: {  	s25 =	simm.s32 $0x1B8E;
	s24 =	sld [smem:$0x3FFE];
	[sflag:s23] =	ssyncadd.s32 $0xFFFFFFFF  }
0xab: {  	s26 =	simm.s32 $execute0_lowered;
	[smem:$0x3FD2] =	sst s25  }
0xac: {  	s6 =	sshll.u32 s26, $0x1;
	_ =	strace $0x80000046;
	[dreg:$0x1] =	wrdreg $0xFFFFFFFF  }
0xad: {  	s28 =	simm.s32 $_size_execute0_lowered;
	s4 =	sadd.s32 s4, s6;
	[dreg:$0x0] =	wrdreg $0x0  }
0xae: {  	s6 =	sshll.u32 s28, $0x1;
	[dreg:$0x2] =	wrdreg s4  }
0xaf: {  	[dreg:$0x3] =	wrdreg s6  }
0xb0: {  	[dreg:$0x4] =	wrdreg $0xC0  }
0xb1: {  	_ =	task [dreg:s8], $0x5FFFF  }
0xb2: {  	[dreg:$0x1] =	wrdreg $0xFFFFFFFF  }
0xb3: {  	[dreg:$0x0] =	wrdreg $0x60  }
0xb4: {  	[dreg:$0x2] =	wrdreg s17  }
0xb5: {  	[dreg:$0x3] =	wrdreg s16  }
0xb6: {  	[dreg:$0x4] =	wrdreg s24  }
0xb7: {  	[dreg:$0x5] =	wrdreg $0x9  }
0xb8: {  	_ =	task.clear_ibuf [dreg:s8], $0x6FFFF;
	_ =	strace $0x90000046  }
0xb9: {  	s29 =	simm.s32 $0x9;
	_ =	strace $0x80000048  }
0xba: {  	_ =	swait.ge [sflag:s29], $0x1  }
0xbb: {  	[sflag:s29] =	ssyncadd.s32 $0xFFFFFFFF  }
0xbc: {  	_ =	strace $0x90000048  }
0xbd: {  	_ =	sfence  }
0xbe: {  	s30 =	sld [smem:$0x0];
	_ =	sdelay $0x2  }
0xbf: {  	s31 =	sshll.u32 s1, $0xD;
	s1 =	sshrl.u32 s1, $0x2  }
0xc0: {  	s3 =	sand.u32 $0x4000, s31;
	s1 =	sadd.s32 s1, s30  }
0xc1: {  	s0 =	sor.u32 s3, s0;
	s1 =	sshll.u32 s1, $0x11  }
0xc2: {  	s0 =	sor.u32 s1, s0  }
0xc3: {  	s0 =	sadd.s32 $0x8F2B, s0  }
0xc4: {  	[sflag:s0] =	ssyncadd.remote.s32 $0x1  }
0xc5: {  	_ =	sfence.sel $0xFFFF  }
0xc6: {  	[dreg:$0x0] =	wrdreg $0xFFFFFFFF;
	(pc) =	sbr.abs _section_cstart, $3  }
0xc7: {  	[dreg:$0x1] =	wrdreg $0xFFFFFFFF  }
0xc8: {  	_ =	task.clear_ibuf [dreg:s8], $0x2FFFF;
	_ =	strace $0x9FFFFFFF  }
0xc9: {  	(tm) =	ssettm $0x7FFFFFFF  }
tec
execute0_lowered:
.L_overlay_start_1:
0x0: {  	(tag) =	ssettag $0x1  }
0x1: {  	s3 =	rddreg [dreg:$0x0]  }
0x2: {  	s4 =	rddreg [dreg:$0x1]  }
0x3: {  	s5 =	rddreg [dreg:$0x2]  }
0x4: {  	s0 =	rddreg [dreg:$0x3];
	s2 =	simm.s32 $0x0;
	s6 =	srdreg.scid  }
0x5: {  	s1 =	stileid.u32;
	s11 =	simm.s32 $0x100;
	s6 =	sand.u32 $0x1, s6  }
0x6: {  	s12 =	simm.s32 $0x200;
	s7 =	sshll.u32 s1, $0x6;
	s8 =	sshll.u32 s6, $0x5  }
0x7: {  	[smem:$0x7FF] =	sst s2;
	s6 =	ssub.s32 $0x2, s6;
	s7 =	sor.u32 s8, s7  }
0x8: {  	_ =	strace $0x80000047;
	s31 =	sshrl.u32 s6, $0x1;
	s9 =	sadd.s32 s7, s5  }
0x9: {  	s10 =	ssub.s32 s6, s31;
	s3 =	sadd.s32 s3, s7;
	s5 =	sadd.s32 $0x201A00, s9  }
0xa: {  	s4 =	sadd.s32 s4, s7;
	s6 =	sadd.s32 $0x201200, s9;
	s7 =	sadd.s32 $0x201600, s9  }
0xb: {  	s8 =	sadd.s32 $0x201E00, s9;
	s9 =	smax.u32 s10, $0x1;
	s10 =	simm.s32 $0x1  }
.LBB2_1:
0xc: {  	[tilespmem:s2], [sflag:$0x1] =	stream.linear.gather [hbm4b:s3+s2], $0x100, $0x38;
	[tilespmem:$0x300] =	vst v63  }
0xd: {  	_ =	swait.ge [sflag:s10], $0x100  }
0xe: {  	[sflag:s10] =	ssyncset.done $0x0  }
0xf: {  	[sflag:s10] =	ssyncadd.s32 $0xFFFFFF00  }
0x10: {  	[tilespmem:s11], [sflag:$0x1] =	stream.linear.gather [hbm4b:s4+s2], $0x100, $0x38;
	[tilespmem:$0x300] =	vst v63  }
0x11: {  	_ =	swait.ge [sflag:s10], $0x100  }
0x12: {  	[sflag:s10] =	ssyncset.done $0x0  }
0x13: {  	[sflag:s10] =	ssyncadd.s32 $0xFFFFFF00  }
0x14: {  	v0 =	vld [tilespmem:$0x0]  }
0x15: {  	v1 =	vld [tilespmem:$0x100]  }
0x16: {  	v2 =	vld [tilespmem:$0x10]  }
0x17: {  	v3 =	vld [tilespmem:$0x110]  }
0x18: {  	v4 =	vld [tilespmem:$0x20]  }
0x19: {  	v5 =	vld [tilespmem:$0x120]  }
0x1a: {  	v6 =	vld [tilespmem:$0x30]  }
0x1b: {  	v7 =	vld [tilespmem:$0x130]  }
0x1c: {  	v8 =	vld [tilespmem:$0x40]  }
0x1d: {  	v9 =	vld [tilespmem:$0x140]  }
0x1e: {  	v10 =	vld [tilespmem:$0x50]  }
0x1f: {  	v11 =	vld [tilespmem:$0x150]  }
0x20: {  	v12 =	vld [tilespmem:$0x60]  }
0x21: {  	v13 =	vld [tilespmem:$0x160]  }
0x22: {  	v14 =	vld [tilespmem:$0x70]  }
0x23: {  	v15 =	vld [tilespmem:$0x170]  }
0x24: {  	v16 =	vld [tilespmem:$0x80]  }
0x25: {  	v17 =	vld [tilespmem:$0x180]  }
0x26: {  	v18 =	vld [tilespmem:$0x90]  }
0x27: {  	v19 =	vld [tilespmem:$0x190]  }
0x28: {  	v20 =	vld [tilespmem:$0xA0];
	v1 =	vshll.u32 v1, $0x9  }
0x29: {  	v35 =	vld [tilespmem:$0x1A0];
	v34 =	vshll.u32 v3, $0x9;
	v0 =	vadd.s32 v0, v1  }
0x2a: {  	v37 =	vld [tilespmem:$0xB0];
	v36 =	vshll.u32 v5, $0x9;
	v1 =	vadd.s32 v2, v34;
	v0 =	vand.u32 $0xFFFF, v0  }
0x2b: {  	v45 =	vld [tilespmem:$0xC0];
	v40 =	vshll.u32 v7, $0x9;
	v39 =	vadd.s32 v4, v36;
	v38 =	vand.u32 $0xFFFF, v1;
	[tilespmem:$0x200] =	vst v0  }
0x2c: {  	v49 =	vld [tilespmem:$0x1C0];
	v44 =	vshll.u32 v9, $0x9;
	v43 =	vadd.s32 v6, v40;
	v42 =	vand.u32 $0xFFFF, v39;
	[tilespmem:$0x210] =	vst v38  }
0x2d: {  	v57 =	vld [tilespmem:$0x1D0];
	v48 =	vshll.u32 v11, $0x9;
	v47 =	vadd.s32 v8, v44;
	v46 =	vand.u32 $0xFFFF, v43;
	[tilespmem:$0x220] =	vst v42  }
0x2e: {  	v53 =	vld [tilespmem:$0xD0];
	v52 =	vshll.u32 v13, $0x9;
	v51 =	vadd.s32 v10, v48;
	v50 =	vand.u32 $0xFFFF, v47;
	[tilespmem:$0x230] =	vst v46  }
0x2f: {  	v41 =	vld [tilespmem:$0x1B0];
	v56 =	vshll.u32 v15, $0x9;
	v55 =	vadd.s32 v12, v52;
	v54 =	vand.u32 $0xFFFF, v51;
	[tilespmem:$0x240] =	vst v50  }
0x30: {  	v61 =	vld [tilespmem:$0xE0];
	v60 =	vshll.u32 v17, $0x9;
	v59 =	vadd.s32 v14, v56;
	v58 =	vand.u32 $0xFFFF, v55;
	[tilespmem:$0x250] =	vst v54  }
0x31: {  	v13 =	vld [tilespmem:$0x1E0];
	v24 =	vshll.u32 v49, $0x9;
	v63 =	vadd.s32 v16, v60;
	v62 =	vand.u32 $0xFFFF, v59;
	[tilespmem:$0x260] =	vst v58  }
0x32: {  	v17 =	vld [tilespmem:$0x1F0];
	v27 =	vshll.u32 v57, $0x9;
	v26 =	vadd.s32 v45, v24;
	v14 =	vand.u32 $0xFFFF, v63;
	[tilespmem:$0x270] =	vst v62  }
0x33: {  	v21 =	vld [tilespmem:$0xF0];
	v12 =	vshll.u32 v19, $0x9;
	v29 =	vadd.s32 v53, v27;
	v28 =	vand.u32 $0xFFFF, v26;
	[tilespmem:$0x280] =	vst v14  }
0x34: {  	v16 =	vshll.u32 v35, $0x9;
	v15 =	vadd.s32 v18, v12;
	v31 =	vand.u32 $0xFFFF, v29;
	[tilespmem:$0x2C0] =	vst v28  }
0x35: {  	v19 =	vadd.s32 v20, v16;
	v20 =	vshll.u32 v41, $0x9;
	v18 =	vand.u32 $0xFFFF, v15;
	[tilespmem:$0x2D0] =	vst v31  }
0x36: {  	v22 =	vand.u32 $0xFFFF, v19;
	v23 =	vadd.s32 v37, v20;
	[tilespmem:$0x290] =	vst v18;
	v30 =	vshll.u32 v13, $0x9  }
0x37: {  	[tilespmem:$0x2A0] =	vst v22;
	v25 =	vand.u32 $0xFFFF, v23;
	v33 =	vshll.u32 v17, $0x9;
	v32 =	vadd.s32 v61, v30  }
0x38: {  	[tilespmem:$0x2B0] =	vst v25;
	v35 =	vadd.s32 v21, v33;
	v34 =	vand.u32 $0xFFFF, v32  }
0x39: {  	v36 =	vand.u32 $0xFFFF, v35;
	[tilespmem:$0x2E0] =	vst v34  }
0x3a: {  	[tilespmem:$0x2F0] =	vst v36  }
0x3b: {  	[hbm4b:s5+s2] =	stream.linear.scatter [tilespmem:s12], [sflag:$0x1], $0x100, $0x38;
	[tilespmem:$0x300] =	vst v63  }
0x3c: {  	_ =	swait.ge [sflag:s10], $0x100  }
0x3d: {  	[sflag:s10] =	ssyncset.done $0x0  }
0x3e: {  	[sflag:s10] =	ssyncadd.s32 $0xFFFFFF00  }
0x3f: {  	[tilespmem:s2], [sflag:$0x1] =	stream.linear.gather [hbm4b:s6+s2], $0x100, $0x38;
	[tilespmem:$0x300] =	vst v63  }
0x40: {  	_ =	swait.ge [sflag:s10], $0x100  }
0x41: {  	[sflag:s10] =	ssyncset.done $0x0  }
0x42: {  	[sflag:s10] =	ssyncadd.s32 $0xFFFFFF00  }
0x43: {  	[tilespmem:s11], [sflag:$0x1] =	stream.linear.gather [hbm4b:s7+s2], $0x100, $0x38;
	[tilespmem:$0x300] =	vst v63  }
0x44: {  	_ =	swait.ge [sflag:s10], $0x100  }
0x45: {  	[sflag:s10] =	ssyncset.done $0x0  }
0x46: {  	[sflag:s10] =	ssyncadd.s32 $0xFFFFFF00  }
0x47: {  	v37 =	vld [tilespmem:$0x0]  }
0x48: {  	v38 =	vld [tilespmem:$0x100]  }
0x49: {  	v39 =	vld [tilespmem:$0x10]  }
0x4a: {  	v40 =	vld [tilespmem:$0x110]  }
0x4b: {  	v41 =	vld [tilespmem:$0x20]  }
0x4c: {  	v42 =	vld [tilespmem:$0x120]  }
0x4d: {  	v43 =	vld [tilespmem:$0x30]  }
0x4e: {  	v44 =	vld [tilespmem:$0x130]  }
0x4f: {  	v45 =	vld [tilespmem:$0x40]  }
0x50: {  	v46 =	vld [tilespmem:$0x140]  }
0x51: {  	v47 =	vld [tilespmem:$0x50]  }
0x52: {  	v48 =	vld [tilespmem:$0x150]  }
0x53: {  	v49 =	vld [tilespmem:$0x60]  }
0x54: {  	v50 =	vld [tilespmem:$0x160]  }
0x55: {  	v51 =	vld [tilespmem:$0x70]  }
0x56: {  	v52 =	vld [tilespmem:$0x170]  }
0x57: {  	v53 =	vld [tilespmem:$0x80]  }
0x58: {  	v54 =	vld [tilespmem:$0x180]  }
0x59: {  	v55 =	vld [tilespmem:$0x90]  }
0x5a: {  	v56 =	vld [tilespmem:$0x190]  }
0x5b: {  	v57 =	vld [tilespmem:$0xA0];
	v1 =	vshll.u32 v38, $0x9  }
0x5c: {  	v59 =	vld [tilespmem:$0x1A0];
	v58 =	vshll.u32 v40, $0x9;
	v0 =	vadd.s32 v37, v1  }
0x5d: {  	v61 =	vld [tilespmem:$0xB0];
	v60 =	vshll.u32 v42, $0x9;
	v1 =	vadd.s32 v39, v58;
	v0 =	vand.u32 $0xFFFF, v0  }
0x5e: {  	v22 =	vld [tilespmem:$0x1B0];
	v21 =	vshll.u32 v44, $0x9;
	v63 =	vadd.s32 v41, v60;
	v62 =	vand.u32 $0xFFFF, v1;
	[tilespmem:$0x200] =	vst v0  }
0x5f: {  	v26 =	vld [tilespmem:$0xC0];
	v25 =	vshll.u32 v46, $0x9;
	v24 =	vadd.s32 v43, v21;
	v23 =	vand.u32 $0xFFFF, v63;
	[tilespmem:$0x210] =	vst v62  }
0x60: {  	v30 =	vld [tilespmem:$0x1C0];
	v29 =	vshll.u32 v48, $0x9;
	v28 =	vadd.s32 v45, v25;
	v27 =	vand.u32 $0xFFFF, v24;
	[tilespmem:$0x220] =	vst v23  }
0x61: {  	v34 =	vld [tilespmem:$0xD0];
	v33 =	vshll.u32 v50, $0x9;
	v32 =	vadd.s32 v47, v29;
	v31 =	vand.u32 $0xFFFF, v28;
	[tilespmem:$0x230] =	vst v27  }
0x62: {  	v38 =	vld [tilespmem:$0x1D0];
	v36 =	vadd.s32 v49, v33;
	v37 =	vshll.u32 v52, $0x9;
	v35 =	vand.u32 $0xFFFF, v32;
	[tilespmem:$0x240] =	vst v31  }
0x63: {  	v42 =	vld [tilespmem:$0xE0];
	v41 =	vshll.u32 v54, $0x9;
	v39 =	vand.u32 $0xFFFF, v36;
	v40 =	vadd.s32 v51, v37;
	[tilespmem:$0x250] =	vst v35  }
0x64: {  	v46 =	vld [tilespmem:$0x1E0];
	v45 =	vshll.u32 v56, $0x9;
	v44 =	vadd.s32 v53, v41;
	[tilespmem:$0x260] =	vst v39;
	v43 =	vand.u32 $0xFFFF, v40  }
0x65: {  	v50 =	vld [tilespmem:$0x1F0];
	v49 =	vshll.u32 v59, $0x9;
	v48 =	vadd.s32 v55, v45;
	v47 =	vand.u32 $0xFFFF, v44;
	[tilespmem:$0x270] =	vst v43  }
0x66: {  	v54 =	vld [tilespmem:$0xF0];
	v52 =	vadd.s32 v57, v49;
	v53 =	vshll.u32 v22, $0x9;
	v51 =	vand.u32 $0xFFFF, v48;
	[tilespmem:$0x280] =	vst v47  }
0x67: {  	v56 =	vshll.u32 v30, $0x9;
	v55 =	vadd.s32 v61, v53;
	v1 =	vand.u32 $0xFFFF, v52;
	[tilespmem:$0x290] =	vst v51  }
0x68: {  	v57 =	vadd.s32 v26, v56;
	[tilespmem:$0x2A0] =	vst v1;
	v0 =	vand.u32 $0xFFFF, v55;
	v58 =	vshll.u32 v38, $0x9  }
0x69: {  	v1 =	vand.u32 $0xFFFF, v57;
	[tilespmem:$0x2B0] =	vst v0;
	v60 =	vshll.u32 v46, $0x9;
	v59 =	vadd.s32 v34, v58  }
0x6a: {  	[tilespmem:$0x2C0] =	vst v1;
	v62 =	vshll.u32 v50, $0x9;
	v61 =	vadd.s32 v42, v60;
	v0 =	vand.u32 $0xFFFF, v59  }
0x6b: {  	v63 =	vadd.s32 v54, v62;
	v1 =	vand.u32 $0xFFFF, v61;
	[tilespmem:$0x2D0] =	vst v0  }
0x6c: {  	p0 =	sne.s32 s9, $0x1;
	[tilespmem:$0x2E0] =	vst v1;
	v0 =	vand.u32 $0xFFFF, v63  }
.Ltmp0:
0x6d: {  	[tilespmem:$0x2F0] =	vst v0;
	(pc) =	sbr.rel @p0 .LBB2_1-.Ltmp0, $4  }
0x6e: {  	[hbm4b:s8+s2] =	stream.linear.scatter [tilespmem:s12], [sflag:$0x1], $0x100, $0x38;
	[tilespmem:$0x300] =	vst v63  }
0x6f: {  	_ =	swait.ge [sflag:s10], $0x100  }
0x70: {  	[sflag:s10] =	ssyncset.done $0x0  }
0x71: {  	s9 =	sadd.s32 $0xFFFFFFFF, s9;
	[sflag:s10] =	ssyncadd.s32 $0xFFFFFF00  }
0x72: {  	_ =	sfence.sel $0x180000  }
0x73: {  	[bflag:$0x0] =	sbarrier.arrive $0xFFFF  }
0x74: {  	p0 =	sne.s32 s1, $0x0;
	_ =	strace $0x90000047  }
0x75: {  	s0 =	sadd.s32 @!p0 $0x100000, s0;
	[bflag:$0x2] =	sbarrier.arrive $0xFFFF  }
0x76: {  	[sflag:s0] =	ssyncadd.tile.s32 @!p0 $0x1;
	_ =	shalt  }
.Lfunc_end2:
_tile_overlayer_lowered:
.L_overlay_start_2:
0x77: {  	(tag) =	ssettag $0x2  }
0x78: {  	s0 =	rddreg [dreg:$0x0];
	s2 =	stileid.u32  }
0x79: {  	s1 =	rddreg [dreg:$0x1];
	p0 =	sne.s32 s2, $0x0  }
0x7a: {  	s3 =	rddreg [dreg:$0x2];
	[bflag:$0x3] =	sbarrier.arrive $0xFFFF;
	s2 =	simm.s32 @!p0 $0x1C01  }
0x7b: {  	[timem:s3], [sflag:s2] =	dma.local @!p0 [hbm:s0], s1  }
0x7c: {  	s0 =	simm.s32 @!p0 $0x1  }
0x7d: {  	_ =	swait.ge @!p0 [sflag:s0], s1  }
0x7e: {  	s1 =	ssub.s32 @!p0 $0x0, s1;
	[sflag:s0] =	ssyncset.done @!p0 $0x0  }
0x7f: {  	[sflag:s0] =	ssyncadd.s32 @!p0 s1  }
0x80: {  	[bflag:$0x3] =	sbarrier.arrive $0xFFFF  }
0x81: {  	_ =	shalt  }

</sc_bundles>
